<compile_context>
chip_gen: v7x
topology: tpu7x:2x2x1
jax: 0.10.2.dev20260603
libtpu: 0.0.44.dev20260713+nightly
codegen_flags: <defaults>
</compile_context>

<pallas_src>
import functools

import jax
import jax.numpy as jnp
from jax import lax
from jax.experimental import pallas as pl
from jax.experimental.pallas import tpu as pltpu
from jax.experimental.pallas import tpu_sc as plsc

NC = 2
NS = 16
NW = NC * NS
CH = 80


def _tc_premul(h, W1a):
    N, D = h.shape
    BN = 2000

    def body(h_ref, w_ref, o_ref):
        o_ref[...] = jnp.dot(h_ref[...].astype(jnp.bfloat16),
                             w_ref[...].astype(jnp.bfloat16),
                             preferred_element_type=jnp.float32)

    return pl.pallas_call(
        body,
        grid=(N // BN,),
        in_specs=[
            pl.BlockSpec((BN, D), lambda i: (i, 0)),
            pl.BlockSpec((D, D), lambda i: (0, 0)),
        ],
        out_specs=pl.BlockSpec((BN, D), lambda i: (i, 0)),
        out_shape=jax.ShapeDtypeStruct((N, D), jnp.float32),
    )(h, W1a)


def _sc_gather(hW, src):
    N, D = hW.shape
    E = src.shape[0]
    EPW = E // NW
    steps = EPW // CH
    mesh = plsc.VectorSubcoreMesh(core_axis_name="c", subcore_axis_name="s")

    @functools.partial(
        pl.kernel,
        out_type=jax.ShapeDtypeStruct((E, D), jnp.float32),
        mesh=mesh,
        scratch_types=[
            pltpu.VMEM((CH,), jnp.int32),
            pltpu.VMEM((CH,), jnp.int32),
            pltpu.VMEM((CH, D), jnp.float32),
            pltpu.VMEM((CH, D), jnp.float32),
            pltpu.SemaphoreType.DMA,
            pltpu.SemaphoreType.DMA,
            pltpu.SemaphoreType.DMA,
            pltpu.SemaphoreType.DMA,
            pltpu.SemaphoreType.DMA,
            pltpu.SemaphoreType.DMA,
        ],
    )
    def k(hW_hbm, src_hbm, out_hbm, idx0, idx1, rows0, rows1,
          si0, si1, sg0, sg1, so0, so1):
        cid = lax.axis_index("c")
        sid = lax.axis_index("s")
        wid = sid * NC + cid
        idxs = (idx0, idx1)
        rows = (rows0, rows1)
        isem = (si0, si1)
        gsem = (sg0, sg1)
        osem = (so0, so1)

        def istart(i, b):
            base = wid * EPW + i * CH
            pltpu.async_copy(src_hbm.at[pl.ds(base, CH)], idxs[b], isem[b])

        def iwait(b):
            pltpu.make_async_copy(src_hbm.at[pl.ds(0, CH)], idxs[b],
                                  isem[b]).wait()

        def owait(b):
            pltpu.make_async_copy(rows[b], out_hbm.at[pl.ds(0, CH)],
                                  osem[b]).wait()

        def run(i, b, first, last):
            iwait(b)
            if not first:
                owait(b)
            pltpu.async_copy(hW_hbm.at[idxs[b]], rows[b], gsem[b]).wait()
            base = wid * EPW + i * CH
            pltpu.async_copy(rows[b], out_hbm.at[pl.ds(base, CH)], osem[b])
            if not last:
                @pl.when(i + 2 < steps)
                def _():
                    istart(i + 2, b)

        istart(0, 0)
        istart(1, 1)
        run(0, 0, first=True, last=False)
        run(1, 1, first=True, last=False)

        @pl.loop(1, steps // 2)
        def _(p):
            for b in (0, 1):
                run(2 * p + b, b, first=False, last=False)

        if steps % 2:
            run(steps - 1, 0, first=False, last=True)
        owait(steps % 2)
        owait(1 - steps % 2)

    return k(hW, src)


def _tc_mlp(gathered, eaT, W1b, b1, W2, b2):
    E, D = gathered.shape
    F = eaT.shape[0]
    BE = 2560

    def body(g_ref, ea_ref, w1b_ref, b1_ref, w2_ref, b2_ref, o_ref):
        pre = lax.dot_general(ea_ref[...].astype(jnp.bfloat16),
                              w1b_ref[...].astype(jnp.bfloat16),
                              (((0,), (0,)), ((), ())),
                              preferred_element_type=jnp.float32)
        x = jnp.maximum(g_ref[...] + pre + b1_ref[...], 0.0)
        o_ref[...] = jnp.dot(x.astype(jnp.bfloat16),
                             w2_ref[...].astype(jnp.bfloat16),
                             preferred_element_type=jnp.float32) + b2_ref[...]

    return pl.pallas_call(
        body,
        grid=(E // BE,),
        in_specs=[
            pl.BlockSpec((BE, D), lambda i: (i, 0)),
            pl.BlockSpec((F, BE), lambda i: (0, i)),
            pl.BlockSpec((F, D), lambda i: (0, 0)),
            pl.BlockSpec((1, D), lambda i: (0, 0)),
            pl.BlockSpec((D, D), lambda i: (0, 0)),
            pl.BlockSpec((1, D), lambda i: (0, 0)),
        ],
        out_specs=pl.BlockSpec((BE, D), lambda i: (i, 0)),
        out_shape=jax.ShapeDtypeStruct((E, D), jnp.float32),
    )(gathered, eaT, W1b, b1, W2, b2)


def _sc_scatter(msg, dst, zidx, N):
    E, D = msg.shape
    EPW = E // NW
    steps = EPW // CH
    NPAD = 10240
    CR = NPAD // 128
    ZR = NPAD // NS
    ZB = 80
    mesh = plsc.VectorSubcoreMesh(core_axis_name="c", subcore_axis_name="s")

    @functools.partial(
        pl.kernel,
        out_type=(
            jax.ShapeDtypeStruct((NC * NPAD, D), jnp.float32),
            jax.ShapeDtypeStruct((NC * CR, 128), jnp.float32),
        ),
        mesh=mesh,
        compiler_params=pltpu.CompilerParams(needs_layout_passes=False),
        scratch_types=[
            pltpu.VMEM_SHARED((NPAD, D), jnp.float32),
            pltpu.VMEM_SHARED((CR, 128), jnp.float32),
            pltpu.VMEM((CH,), jnp.int32),
            pltpu.VMEM((CH,), jnp.int32),
            pltpu.VMEM((CH, D), jnp.float32),
            pltpu.VMEM((CH, D), jnp.float32),
            pltpu.VMEM((ZB,), jnp.int32),
            pltpu.VMEM((NPAD,), jnp.float32),
            pltpu.VMEM((CR, 128), jnp.float32),
            pltpu.SemaphoreType.DMA,
            pltpu.SemaphoreType.DMA,
            pltpu.SemaphoreType.DMA,
            pltpu.SemaphoreType.DMA,
            pltpu.SemaphoreType.DMA,
            pltpu.SemaphoreType.DMA,
            pltpu.SemaphoreType.DMA,
        ],
    )
    def k(msg_hbm, dst_hbm, zidx_hbm, aggp_hbm, cntp_hbm,
          agg_sh, cnt_sh, idx0, idx1, rows0, rows1, idx_w, cnt_f,
          cnt_l, sem, ii0, ii1, mm0, mm1, aa0, aa1):
        cid = lax.axis_index("c")
        sid = lax.axis_index("s")
        wid = sid * NC + cid
        zv = jnp.zeros((16,), jnp.float32)
        ov = jnp.full((16,), 1.0, jnp.float32)

        @pl.loop(0, ZB)
        def _(r):
            for j in range(D // 16):
                rows0[r, pl.ds(j * 16, 16)] = zv

        @pl.loop(0, CR)
        def _(r):
            for j in range(128 // 16):
                cnt_f[pl.ds(r * 128 + j * 16, 16)] = zv

        @pl.loop(0, ZR // ZB)
        def _(t):
            base = sid * ZR + t * ZB
            pltpu.sync_copy(zidx_hbm.at[pl.ds(base, ZB)], idx_w)
            pltpu.sync_copy(rows0, agg_sh.at[idx_w])

        @pl.when(sid == 0)
        def _():
            pltpu.sync_copy(zidx_hbm.at[pl.ds(0, ZB)], idx_w)
            pltpu.sync_copy(rows0, cnt_sh.at[idx_w])

        plsc.subcore_barrier()

        idxs = (idx0, idx1)
        rows = (rows0, rows1)
        iis = (ii0, ii1)
        mms = (mm0, mm1)
        aas = (aa0, aa1)

        def fstart(i, b):
            base = wid * EPW + i * CH
            pltpu.async_copy(dst_hbm.at[pl.ds(base, CH)], idxs[b], iis[b])
            pltpu.async_copy(msg_hbm.at[pl.ds(base, CH)], rows[b], mms[b])

        def runs(i, b, last):
            pltpu.make_async_copy(dst_hbm.at[pl.ds(0, CH)], idxs[b],
                                  iis[b]).wait()
            pltpu.make_async_copy(msg_hbm.at[pl.ds(0, CH)], rows[b],
                                  mms[b]).wait()
            pltpu.async_copy(rows[b], agg_sh.at[idxs[b]], aas[b], add=True)
            for kk in range(CH // 16):
                d16 = idxs[b][pl.ds(kk * 16, 16)]
                plsc.addupdate_scatter(cnt_f, [d16], ov)
            pltpu.make_async_copy(rows[b], agg_sh.at[idxs[b]], aas[b]).wait()
            if not last:
                @pl.when(i + 2 < steps)
                def _():
                    fstart(i + 2, b)

        fstart(0, 0)
        fstart(1, 1)
        runs(0, 0, last=False)
        runs(1, 1, last=False)

        @pl.loop(1, steps // 2)
        def _(p):
            for b in (0, 1):
                runs(2 * p + b, b, last=False)

        if steps % 2:
            runs(steps - 1, 0, last=True)

        @pl.loop(0, CR)
        def _(r):
            for j in range(128 // 16):
                cnt_l[r, pl.ds(j * 16, 16)] = cnt_f[pl.ds(r * 128 + j * 16, 16)]

        pltpu.sync_copy(zidx_hbm.at[pl.ds(0, CR)], idx_w)
        pltpu.sync_copy(cnt_l, cnt_sh.at[idx_w], add=True)

        plsc.subcore_barrier()

        @pl.loop(0, ZR // ZB)
        def _(t):
            base = sid * ZR + t * ZB
            pltpu.sync_copy(zidx_hbm.at[pl.ds(base, ZB)], idx_w)
            pltpu.sync_copy(agg_sh.at[idx_w], rows0)
            pltpu.sync_copy(rows0, aggp_hbm.at[pl.ds(cid * NPAD + base, ZB)])

        @pl.when(sid == 0)
        def _():
            pltpu.sync_copy(zidx_hbm.at[pl.ds(0, CR)], idx_w)
            pltpu.sync_copy(cnt_sh.at[idx_w], cnt_l)
            pltpu.sync_copy(cnt_l, cntp_hbm.at[pl.ds(cid * CR, CR)])

    return k(msg, dst, zidx)


def _tc_norm(h, aggp, cntp, gamma, beta):
    N, D = h.shape
    BN = 2000
    CW = cntp.shape[-1]

    def body(h_ref, a_ref, c_ref, g_ref, b_ref, o_ref):
        agg = a_ref[0] + a_ref[1]
        cnt = c_ref[0] + c_ref[1] + 1.0
        y = h_ref[...] + agg / cnt
        mean = jnp.mean(y, axis=-1, keepdims=True)
        var = jnp.mean((y - mean) ** 2, axis=-1, keepdims=True)
        o_ref[...] = (y - mean) * lax.rsqrt(var + 1e-5) * g_ref[...] + b_ref[...]

    return pl.pallas_call(
        body,
        grid=(N // BN,),
        in_specs=[
            pl.BlockSpec((BN, D), lambda i: (i, 0)),
            pl.BlockSpec((NC, BN, D), lambda i: (0, i, 0)),
            pl.BlockSpec((NC, BN, CW), lambda i: (0, i, 0)),
            pl.BlockSpec((1, D), lambda i: (0, 0)),
            pl.BlockSpec((1, D), lambda i: (0, 0)),
        ],
        out_specs=pl.BlockSpec((BN, D), lambda i: (i, 0)),
        out_shape=jax.ShapeDtypeStruct((N, D), jnp.float32),
    )(h, aggp, cntp, gamma, beta)


def kernel(h, edge_index, edge_attr, W1, b1, W2, b2, gamma, beta):
    N, D = h.shape
    src = edge_index[0]
    dst = edge_index[1]
    W1a = W1[:D]
    W1b = W1[D:]
    eaT = edge_attr.T
    b1r = b1.reshape(1, D)
    b2r = b2.reshape(1, D)

    hW = _tc_premul(h, W1a)
    gathered = _sc_gather(hW, src)
    msg = _tc_mlp(gathered, eaT, W1b, b1r, W2, b2r)
    zidx = jnp.arange(10240, dtype=jnp.int32)
    aggp, cntp = _sc_scatter(msg, dst, zidx, N)
    aggp = aggp.reshape(NC, -1, D)[:, :N]
    cntp = cntp.reshape(NC, -1)[:, :N].reshape(NC, N, 1)
    return _tc_norm(h, aggp, cntp, gamma.reshape(1, D), beta.reshape(1, D))

# --- scband reference (transcript-rebuilt; emitter-appended) ---
"""Pipeline reference for scband-edge-conv-layer-5583457485518 (READ-ONLY COPY).

The authoritative reference and input builder live on the scoring server;
editing this copy changes nothing except your own understanding.
"""

import jax, jax.numpy as jnp
import numpy as np

N, E, D, F = 10000, 320000, 128, 16

def setup_inputs(seed: int = 0) -> dict:
    key = jax.random.key(seed)
    ks = jax.random.split(key, 9)
    h = jax.random.normal(ks[0], (N, D), dtype=jnp.float32)
    edge_index = jax.random.randint(ks[1], (2, E), 0, N, dtype=jnp.int32)
    edge_attr = jax.random.normal(ks[2], (E, F), dtype=jnp.float32)
    W1 = jax.random.normal(ks[3], (D + F, D), dtype=jnp.float32) * 0.02
    b1 = jnp.zeros((D,), dtype=jnp.float32)
    W2 = jax.random.normal(ks[4], (D, D), dtype=jnp.float32) * 0.02
    b2 = jnp.zeros((D,), dtype=jnp.float32)
    gamma = jnp.ones((D,), dtype=jnp.float32)
    beta = jnp.zeros((D,), dtype=jnp.float32)
    return {"h": h, "edge_index": edge_index, "edge_attr": edge_attr, "W1": W1, "b1": b1, "W2": W2, "b2": b2, "gamma": gamma, "beta": beta}

def reference(h, edge_index, edge_attr, W1, b1, W2, b2, gamma, beta):
    src = edge_index[0]
    dst = edge_index[1]
    x = jnp.concatenate([jnp.take(h, src, axis=0), edge_attr], axis=-1)
    hid = jnp.maximum(x @ W1 + b1, 0.0)
    msg = hid @ W2 + b2
    V = h.shape[0]
    agg = jnp.zeros((V, h.shape[1]), dtype=h.dtype).at[dst].add(msg)
    count = jnp.ones((V, 1), dtype=h.dtype).at[dst].add(jnp.ones((dst.shape[0], 1), dtype=h.dtype))
    y = h + agg / count
    mean = jnp.mean(y, axis=-1, keepdims=True)
    var = jnp.mean((y - mean) ** 2, axis=-1, keepdims=True)
    out = (y - mean) / jnp.sqrt(var + 1e-5) * gamma + beta
    return out

if __name__ == "__main__":
    import jax
    _d = setup_inputs()
    print(jax.jit(kernel)(*tuple(_d.values())))

</pallas_src>

<mosaic_0001>
#map = affine_map<(d0, d1) -> (0, 0)>
#map1 = affine_map<(d0, d1) -> (0)>
module attributes {stable_mosaic.version = 14 : i64} {
  func.func @k(%arg0: i32, %arg1: i32, %arg2: memref<10000x128xf32, #tpu.memory_space<hbm>>, %arg3: memref<320000xi32, #tpu.memory_space<hbm>>, %arg4: memref<320000x128xf32, #tpu.memory_space<hbm>>, %arg5: memref<80xi32, #tpu.memory_space<vmem>>, %arg6: memref<80xi32, #tpu.memory_space<vmem>>, %arg7: memref<80x128xf32, #tpu.memory_space<vmem>>, %arg8: memref<80x128xf32, #tpu.memory_space<vmem>>, %arg9: memref<!tpu.dma_semaphore, #tpu.memory_space<semaphore_mem>>, %arg10: memref<!tpu.dma_semaphore, #tpu.memory_space<semaphore_mem>>, %arg11: memref<!tpu.dma_semaphore, #tpu.memory_space<semaphore_mem>>, %arg12: memref<!tpu.dma_semaphore, #tpu.memory_space<semaphore_mem>>, %arg13: memref<!tpu.dma_semaphore, #tpu.memory_space<semaphore_mem>>, %arg14: memref<!tpu.dma_semaphore, #tpu.memory_space<semaphore_mem>>) attributes {dimension_semantics = [#tpu.dimension_semantics<core_parallel>, #tpu.dimension_semantics<subcore_parallel>], iteration_bounds = array<i64: 2, 16>, scalar_prefetch = 0 : i64, scratch_operands = 10 : i64, tpu.core_type = #tpu.core_type<sc_vector_subcore>, window_params = [{transform_indices = #map}, {transform_indices = #map1}, {transform_indices = #map}]} {
    %mul3A = arith.constant 2 : i32
    %mul3A_0 = arith.muli %arg1, %mul3A : i32
    %add3A = arith.addi %mul3A_0, %arg0 : i32
    %mul3A_1 = arith.constant 10000 : i32
    %mul3A_2 = arith.muli %add3A, %mul3A_1 : i32
    %add3A_3 = arith.constant 0 : i32
    %add3A_4 = arith.addi %mul3A_2, %add3A_3 : i32
    %dma_start3A = tpu.memref_slice %arg3[%add3A_4] : memref<320000xi32, #tpu.memory_space<hbm>> -> memref<80xi32, #tpu.memory_space<hbm>>
    %dma_start3A_5 = tpu.memref_slice %arg3[%add3A_4] : memref<320000xi32, #tpu.memory_space<hbm>> -> memref<80xi32, #tpu.memory_space<hbm>>
    tpu.enqueue_dma source(%dma_start3A_5 : memref<80xi32, #tpu.memory_space<hbm>>) target(%arg5 : memref<80xi32, #tpu.memory_space<vmem>>) target_semaphore(%arg9 : memref<!tpu.dma_semaphore, #tpu.memory_space<semaphore_mem>>)
    %mul3A_6 = arith.constant 10000 : i32
    %mul3A_7 = arith.muli %add3A, %mul3A_6 : i32
    %add3A_8 = arith.constant 80 : i32
    %add3A_9 = arith.addi %mul3A_7, %add3A_8 : i32
    %dma_start3A_10 = tpu.memref_slice %arg3[%add3A_9] : memref<320000xi32, #tpu.memory_space<hbm>> -> memref<80xi32, #tpu.memory_space<hbm>>
    %dma_start3A_11 = tpu.memref_slice %arg3[%add3A_9] : memref<320000xi32, #tpu.memory_space<hbm>> -> memref<80xi32, #tpu.memory_space<hbm>>
    tpu.enqueue_dma source(%dma_start3A_11 : memref<80xi32, #tpu.memory_space<hbm>>) target(%arg6 : memref<80xi32, #tpu.memory_space<vmem>>) target_semaphore(%arg10 : memref<!tpu.dma_semaphore, #tpu.memory_space<semaphore_mem>>)
    %dma_wait3A = arith.constant 0 : i32
    %dma_wait3A_12 = tpu.memref_slice %arg3[%dma_wait3A] : memref<320000xi32, #tpu.memory_space<hbm>> -> memref<80xi32, #tpu.memory_space<hbm>>
    %dma_wait3A_13 = arith.constant 0 : i32
    %dma_wait3A_14 = tpu.memref_slice %arg3[%dma_wait3A_13] : memref<320000xi32, #tpu.memory_space<hbm>> -> memref<80xi32, #tpu.memory_space<hbm>>
    tpu.wait_dma2 semaphore(%arg9 : memref<!tpu.dma_semaphore, #tpu.memory_space<semaphore_mem>>) src(%dma_wait3A_14 : memref<80xi32, #tpu.memory_space<hbm>>) dst(%arg5 : memref<80xi32, #tpu.memory_space<vmem>>)
    %dma_start3A_15 = arith.constant 0 : i32
    %dma_start3A_16 = arith.constant 0 : i32
    %dma_start3A_17 = tpu.memref_slice %arg2[%dma_start3A_15, %dma_start3A_16] : memref<10000x128xf32, #tpu.memory_space<hbm>> -> memref<10000x128xf32, #tpu.memory_space<hbm>>
    tpu.enqueue_indirect_dma source(%dma_start3A_17 : memref<10000x128xf32, #tpu.memory_space<hbm>>) target(%arg7 : memref<80x128xf32, #tpu.memory_space<vmem>>) offsets(%arg5 : memref<80xi32, #tpu.memory_space<vmem>>) semaphore(%arg11 : memref<!tpu.dma_semaphore, #tpu.memory_space<semaphore_mem>>)
    %dma_wait3A_18 = arith.constant 0 : i32
    %dma_wait3A_19 = arith.constant 0 : i32
    %dma_wait3A_20 = tpu.memref_slice %arg2[%dma_wait3A_18, %dma_wait3A_19] : memref<10000x128xf32, #tpu.memory_space<hbm>> -> memref<10000x128xf32, #tpu.memory_space<hbm>>
    tpu.wait_indirect_dma semaphore(%arg11 : memref<!tpu.dma_semaphore, #tpu.memory_space<semaphore_mem>>) src(%dma_wait3A_20 : memref<10000x128xf32, #tpu.memory_space<hbm>>) dst(%arg7 : memref<80x128xf32, #tpu.memory_space<vmem>>)
    %mul3A_21 = arith.constant 10000 : i32
    %mul3A_22 = arith.muli %add3A, %mul3A_21 : i32
    %add3A_23 = arith.constant 0 : i32
    %add3A_24 = arith.addi %mul3A_22, %add3A_23 : i32
    %dma_start3A_25 = arith.constant 0 : i32
    %dma_start3A_26 = tpu.memref_slice %arg4[%add3A_24, %dma_start3A_25] : memref<320000x128xf32, #tpu.memory_space<hbm>> -> memref<80x128xf32, #tpu.memory_space<hbm>>
    %dma_start3A_27 = arith.constant 0 : i32
    %dma_start3A_28 = tpu.memref_slice %arg4[%add3A_24, %dma_start3A_27] : memref<320000x128xf32, #tpu.memory_space<hbm>> -> memref<80x128xf32, #tpu.memory_space<hbm>>
    tpu.enqueue_dma source(%arg7 : memref<80x128xf32, #tpu.memory_space<vmem>>) target(%dma_start3A_28 : memref<80x128xf32, #tpu.memory_space<hbm>>) target_semaphore(%arg13 : memref<!tpu.dma_semaphore, #tpu.memory_space<semaphore_mem>>)
    %mul3A_29 = arith.constant 10000 : i32
    %mul3A_30 = arith.muli %add3A, %mul3A_29 : i32
    %add3A_31 = arith.constant 160 : i32
    %add3A_32 = arith.addi %mul3A_30, %add3A_31 : i32
    %dma_start3A_33 = tpu.memref_slice %arg3[%add3A_32] : memref<320000xi32, #tpu.memory_space<hbm>> -> memref<80xi32, #tpu.memory_space<hbm>>
    %dma_start3A_34 = tpu.memref_slice %arg3[%add3A_32] : memref<320000xi32, #tpu.memory_space<hbm>> -> memref<80xi32, #tpu.memory_space<hbm>>
    tpu.enqueue_dma source(%dma_start3A_34 : memref<80xi32, #tpu.memory_space<hbm>>) target(%arg5 : memref<80xi32, #tpu.memory_space<vmem>>) target_semaphore(%arg9 : memref<!tpu.dma_semaphore, #tpu.memory_space<semaphore_mem>>)
    %dma_wait3A_35 = arith.constant 0 : i32
    %dma_wait3A_36 = tpu.memref_slice %arg3[%dma_wait3A_35] : memref<320000xi32, #tpu.memory_space<hbm>> -> memref<80xi32, #tpu.memory_space<hbm>>
    %dma_wait3A_37 = arith.constant 0 : i32
    %dma_wait3A_38 = tpu.memref_slice %arg3[%dma_wait3A_37] : memref<320000xi32, #tpu.memory_space<hbm>> -> memref<80xi32, #tpu.memory_space<hbm>>
    tpu.wait_dma2 semaphore(%arg10 : memref<!tpu.dma_semaphore, #tpu.memory_space<semaphore_mem>>) src(%dma_wait3A_38 : memref<80xi32, #tpu.memory_space<hbm>>) dst(%arg6 : memref<80xi32, #tpu.memory_space<vmem>>)
    %dma_start3A_39 = arith.constant 0 : i32
    %dma_start3A_40 = arith.constant 0 : i32
    %dma_start3A_41 = tpu.memref_slice %arg2[%dma_start3A_39, %dma_start3A_40] : memref<10000x128xf32, #tpu.memory_space<hbm>> -> memref<10000x128xf32, #tpu.memory_space<hbm>>
    tpu.enqueue_indirect_dma source(%dma_start3A_41 : memref<10000x128xf32, #tpu.memory_space<hbm>>) target(%arg8 : memref<80x128xf32, #tpu.memory_space<vmem>>) offsets(%arg6 : memref<80xi32, #tpu.memory_space<vmem>>) semaphore(%arg12 : memref<!tpu.dma_semaphore, #tpu.memory_space<semaphore_mem>>)
    %dma_wait3A_42 = arith.constant 0 : i32
    %dma_wait3A_43 = arith.constant 0 : i32
    %dma_wait3A_44 = tpu.memref_slice %arg2[%dma_wait3A_42, %dma_wait3A_43] : memref<10000x128xf32, #tpu.memory_space<hbm>> -> memref<10000x128xf32, #tpu.memory_space<hbm>>
    tpu.wait_indirect_dma semaphore(%arg12 : memref<!tpu.dma_semaphore, #tpu.memory_space<semaphore_mem>>) src(%dma_wait3A_44 : memref<10000x128xf32, #tpu.memory_space<hbm>>) dst(%arg8 : memref<80x128xf32, #tpu.memory_space<vmem>>)
    %mul3A_45 = arith.constant 10000 : i32
    %mul3A_46 = arith.muli %add3A, %mul3A_45 : i32
    %add3A_47 = arith.constant 80 : i32
    %add3A_48 = arith.addi %mul3A_46, %add3A_47 : i32
    %dma_start3A_49 = arith.constant 0 : i32
    %dma_start3A_50 = tpu.memref_slice %arg4[%add3A_48, %dma_start3A_49] : memref<320000x128xf32, #tpu.memory_space<hbm>> -> memref<80x128xf32, #tpu.memory_space<hbm>>
    %dma_start3A_51 = arith.constant 0 : i32
    %dma_start3A_52 = tpu.memref_slice %arg4[%add3A_48, %dma_start3A_51] : memref<320000x128xf32, #tpu.memory_space<hbm>> -> memref<80x128xf32, #tpu.memory_space<hbm>>
    tpu.enqueue_dma source(%arg8 : memref<80x128xf32, #tpu.memory_space<vmem>>) target(%dma_start3A_52 : memref<80x128xf32, #tpu.memory_space<hbm>>) target_semaphore(%arg14 : memref<!tpu.dma_semaphore, #tpu.memory_space<semaphore_mem>>)
    %mul3A_53 = arith.constant 10000 : i32
    %mul3A_54 = arith.muli %add3A, %mul3A_53 : i32
    %add3A_55 = arith.constant 240 : i32
    %add3A_56 = arith.addi %mul3A_54, %add3A_55 : i32
    %dma_start3A_57 = tpu.memref_slice %arg3[%add3A_56] : memref<320000xi32, #tpu.memory_space<hbm>> -> memref<80xi32, #tpu.memory_space<hbm>>
    %dma_start3A_58 = tpu.memref_slice %arg3[%add3A_56] : memref<320000xi32, #tpu.memory_space<hbm>> -> memref<80xi32, #tpu.memory_space<hbm>>
    tpu.enqueue_dma source(%dma_start3A_58 : memref<80xi32, #tpu.memory_space<hbm>>) target(%arg6 : memref<80xi32, #tpu.memory_space<vmem>>) target_semaphore(%arg10 : memref<!tpu.dma_semaphore, #tpu.memory_space<semaphore_mem>>)
    %scan3A = arith.constant 0 : i32
    %scan3A_59 = arith.constant 61 : i32
    %scan3A_60 = arith.addi %scan3A, %scan3A_59 : i32
    %scan3A_61 = arith.constant 1 : i32
    scf.for %scan3A_99 = %scan3A to %scan3A_60 step %scan3A_61  : i32 {
      %mul3A_100 = arith.constant 1 : i32
      %mul3A_101 = arith.muli %scan3A_99, %mul3A_100 : i32
      %add3A_102 = arith.constant 1 : i32
      %add3A_103 = arith.addi %add3A_102, %mul3A_101 : i32
      %mul3A_104 = arith.constant 2 : i32
      %mul3A_105 = arith.muli %mul3A_104, %add3A_103 : i32
      %add3A_106 = arith.constant 0 : i32
      %add3A_107 = arith.addi %mul3A_105, %add3A_106 : i32
      %dma_wait3A_108 = arith.constant 0 : i32
      %dma_wait3A_109 = tpu.memref_slice %arg3[%dma_wait3A_108] : memref<320000xi32, #tpu.memory_space<hbm>> -> memref<80xi32, #tpu.memory_space<hbm>>
      %dma_wait3A_110 = arith.constant 0 : i32
      %dma_wait3A_111 = tpu.memref_slice %arg3[%dma_wait3A_110] : memref<320000xi32, #tpu.memory_space<hbm>> -> memref<80xi32, #tpu.memory_space<hbm>>
      tpu.wait_dma2 semaphore(%arg9 : memref<!tpu.dma_semaphore, #tpu.memory_space<semaphore_mem>>) src(%dma_wait3A_111 : memref<80xi32, #tpu.memory_space<hbm>>) dst(%arg5 : memref<80xi32, #tpu.memory_space<vmem>>)
      %dma_wait3A_112 = arith.constant 0 : i32
      %dma_wait3A_113 = arith.constant 0 : i32
      %dma_wait3A_114 = tpu.memref_slice %arg4[%dma_wait3A_112, %dma_wait3A_113] : memref<320000x128xf32, #tpu.memory_space<hbm>> -> memref<80x128xf32, #tpu.memory_space<hbm>>
      %dma_wait3A_115 = arith.constant 0 : i32
      %dma_wait3A_116 = arith.constant 0 : i32
      %dma_wait3A_117 = tpu.memref_slice %arg4[%dma_wait3A_115, %dma_wait3A_116] : memref<320000x128xf32, #tpu.memory_space<hbm>> -> memref<80x128xf32, #tpu.memory_space<hbm>>
      tpu.wait_dma2 semaphore(%arg13 : memref<!tpu.dma_semaphore, #tpu.memory_space<semaphore_mem>>) src(%arg7 : memref<80x128xf32, #tpu.memory_space<vmem>>) dst(%dma_wait3A_117 : memref<80x128xf32, #tpu.memory_space<hbm>>)
      %dma_start3A_118 = arith.constant 0 : i32
      %dma_start3A_119 = arith.constant 0 : i32
      %dma_start3A_120 = tpu.memref_slice %arg2[%dma_start3A_118, %dma_start3A_119] : memref<10000x128xf32, #tpu.memory_space<hbm>> -> memref<10000x128xf32, #tpu.memory_space<hbm>>
      tpu.enqueue_indirect_dma source(%dma_start3A_120 : memref<10000x128xf32, #tpu.memory_space<hbm>>) target(%arg7 : memref<80x128xf32, #tpu.memory_space<vmem>>) offsets(%arg5 : memref<80xi32, #tpu.memory_space<vmem>>) semaphore(%arg11 : memref<!tpu.dma_semaphore, #tpu.memory_space<semaphore_mem>>)
      %dma_wait3A_121 = arith.constant 0 : i32
      %dma_wait3A_122 = arith.constant 0 : i32
      %dma_wait3A_123 = tpu.memref_slice %arg2[%dma_wait3A_121, %dma_wait3A_122] : memref<10000x128xf32, #tpu.memory_space<hbm>> -> memref<10000x128xf32, #tpu.memory_space<hbm>>
      tpu.wait_indirect_dma semaphore(%arg11 : memref<!tpu.dma_semaphore, #tpu.memory_space<semaphore_mem>>) src(%dma_wait3A_123 : memref<10000x128xf32, #tpu.memory_space<hbm>>) dst(%arg7 : memref<80x128xf32, #tpu.memory_space<vmem>>)
      %mul3A_124 = arith.constant 10000 : i32
      %mul3A_125 = arith.muli %add3A, %mul3A_124 : i32
      %mul3A_126 = arith.constant 80 : i32
      %mul3A_127 = arith.muli %add3A_107, %mul3A_126 : i32
      %add3A_128 = arith.addi %mul3A_125, %mul3A_127 : i32
      %dma_start3A_129 = arith.constant 0 : i32
      %dma_start3A_130 = tpu.memref_slice %arg4[%add3A_128, %dma_start3A_129] : memref<320000x128xf32, #tpu.memory_space<hbm>> -> memref<80x128xf32, #tpu.memory_space<hbm>>
      %dma_start3A_131 = arith.constant 0 : i32
      %dma_start3A_132 = tpu.memref_slice %arg4[%add3A_128, %dma_start3A_131] : memref<320000x128xf32, #tpu.memory_space<hbm>> -> memref<80x128xf32, #tpu.memory_space<hbm>>
      tpu.enqueue_dma source(%arg7 : memref<80x128xf32, #tpu.memory_space<vmem>>) target(%dma_start3A_132 : memref<80x128xf32, #tpu.memory_space<hbm>>) target_semaphore(%arg13 : memref<!tpu.dma_semaphore, #tpu.memory_space<semaphore_mem>>)
      %add3A_133 = arith.constant 2 : i32
      %add3A_134 = arith.addi %add3A_107, %add3A_133 : i32
      %lt3A = arith.constant 125 : i32
      %lt3A_135 = arith.cmpi slt, %add3A_134, %lt3A : i32
      %convert_element_type3A = arith.extui %lt3A_135 : i1 to i32
      %cond3A = arith.constant 0 : i32
      %cond3A_136 = arith.cmpi ne, %convert_element_type3A, %cond3A : i32
      scf.if %cond3A_136 {
        %add3A_173 = arith.constant 2 : i32
        %add3A_174 = arith.addi %add3A_107, %add3A_173 : i32
        %mul3A_175 = arith.constant 10000 : i32
        %mul3A_176 = arith.muli %add3A, %mul3A_175 : i32
        %mul3A_177 = arith.constant 80 : i32
        %mul3A_178 = arith.muli %add3A_174, %mul3A_177 : i32
        %add3A_179 = arith.addi %mul3A_176, %mul3A_178 : i32
        %dma_start3A_180 = tpu.memref_slice %arg3[%add3A_179] : memref<320000xi32, #tpu.memory_space<hbm>> -> memref<80xi32, #tpu.memory_space<hbm>>
        %dma_start3A_181 = tpu.memref_slice %arg3[%add3A_179] : memref<320000xi32, #tpu.memory_space<hbm>> -> memref<80xi32, #tpu.memory_space<hbm>>
        tpu.enqueue_dma source(%dma_start3A_181 : memref<80xi32, #tpu.memory_space<hbm>>) target(%arg5 : memref<80xi32, #tpu.memory_space<vmem>>) target_semaphore(%arg9 : memref<!tpu.dma_semaphore, #tpu.memory_space<semaphore_mem>>)
      } else {
      }
      %mul3A_137 = arith.constant 2 : i32
      %mul3A_138 = arith.muli %mul3A_137, %add3A_103 : i32
      %add3A_139 = arith.constant 1 : i32
      %add3A_140 = arith.addi %mul3A_138, %add3A_139 : i32
      %dma_wait3A_141 = arith.constant 0 : i32
      %dma_wait3A_142 = tpu.memref_slice %arg3[%dma_wait3A_141] : memref<320000xi32, #tpu.memory_space<hbm>> -> memref<80xi32, #tpu.memory_space<hbm>>
      %dma_wait3A_143 = arith.constant 0 : i32
      %dma_wait3A_144 = tpu.memref_slice %arg3[%dma_wait3A_143] : memref<320000xi32, #tpu.memory_space<hbm>> -> memref<80xi32, #tpu.memory_space<hbm>>
      tpu.wait_dma2 semaphore(%arg10 : memref<!tpu.dma_semaphore, #tpu.memory_space<semaphore_mem>>) src(%dma_wait3A_144 : memref<80xi32, #tpu.memory_space<hbm>>) dst(%arg6 : memref<80xi32, #tpu.memory_space<vmem>>)
      %dma_wait3A_145 = arith.constant 0 : i32
      %dma_wait3A_146 = arith.constant 0 : i32
      %dma_wait3A_147 = tpu.memref_slice %arg4[%dma_wait3A_145, %dma_wait3A_146] : memref<320000x128xf32, #tpu.memory_space<hbm>> -> memref<80x128xf32, #tpu.memory_space<hbm>>
      %dma_wait3A_148 = arith.constant 0 : i32
      %dma_wait3A_149 = arith.constant 0 : i32
      %dma_wait3A_150 = tpu.memref_slice %arg4[%dma_wait3A_148, %dma_wait3A_149] : memref<320000x128xf32, #tpu.memory_space<hbm>> -> memref<80x128xf32, #tpu.memory_space<hbm>>
      tpu.wait_dma2 semaphore(%arg14 : memref<!tpu.dma_semaphore, #tpu.memory_space<semaphore_mem>>) src(%arg8 : memref<80x128xf32, #tpu.memory_space<vmem>>) dst(%dma_wait3A_150 : memref<80x128xf32, #tpu.memory_space<hbm>>)
      %dma_start3A_151 = arith.constant 0 : i32
      %dma_start3A_152 = arith.constant 0 : i32
      %dma_start3A_153 = tpu.memref_slice %arg2[%dma_start3A_151, %dma_start3A_152] : memref<10000x128xf32, #tpu.memory_space<hbm>> -> memref<10000x128xf32, #tpu.memory_space<hbm>>
      tpu.enqueue_indirect_dma source(%dma_start3A_153 : memref<10000x128xf32, #tpu.memory_space<hbm>>) target(%arg8 : memref<80x128xf32, #tpu.memory_space<vmem>>) offsets(%arg6 : memref<80xi32, #tpu.memory_space<vmem>>) semaphore(%arg12 : memref<!tpu.dma_semaphore, #tpu.memory_space<semaphore_mem>>)
      %dma_wait3A_154 = arith.constant 0 : i32
      %dma_wait3A_155 = arith.constant 0 : i32
      %dma_wait3A_156 = tpu.memref_slice %arg2[%dma_wait3A_154, %dma_wait3A_155] : memref<10000x128xf32, #tpu.memory_space<hbm>> -> memref<10000x128xf32, #tpu.memory_space<hbm>>
      tpu.wait_indirect_dma semaphore(%arg12 : memref<!tpu.dma_semaphore, #tpu.memory_space<semaphore_mem>>) src(%dma_wait3A_156 : memref<10000x128xf32, #tpu.memory_space<hbm>>) dst(%arg8 : memref<80x128xf32, #tpu.memory_space<vmem>>)
      %mul3A_157 = arith.constant 10000 : i32
      %mul3A_158 = arith.muli %add3A, %mul3A_157 : i32
      %mul3A_159 = arith.constant 80 : i32
      %mul3A_160 = arith.muli %add3A_140, %mul3A_159 : i32
      %add3A_161 = arith.addi %mul3A_158, %mul3A_160 : i32
      %dma_start3A_162 = arith.constant 0 : i32
      %dma_start3A_163 = tpu.memref_slice %arg4[%add3A_161, %dma_start3A_162] : memref<320000x128xf32, #tpu.memory_space<hbm>> -> memref<80x128xf32, #tpu.memory_space<hbm>>
      %dma_start3A_164 = arith.constant 0 : i32
      %dma_start3A_165 = tpu.memref_slice %arg4[%add3A_161, %dma_start3A_164] : memref<320000x128xf32, #tpu.memory_space<hbm>> -> memref<80x128xf32, #tpu.memory_space<hbm>>
      tpu.enqueue_dma source(%arg8 : memref<80x128xf32, #tpu.memory_space<vmem>>) target(%dma_start3A_165 : memref<80x128xf32, #tpu.memory_space<hbm>>) target_semaphore(%arg14 : memref<!tpu.dma_semaphore, #tpu.memory_space<semaphore_mem>>)
      %add3A_166 = arith.constant 2 : i32
      %add3A_167 = arith.addi %add3A_140, %add3A_166 : i32
      %lt3A_168 = arith.constant 125 : i32
      %lt3A_169 = arith.cmpi slt, %add3A_167, %lt3A_168 : i32
      %convert_element_type3A_170 = arith.extui %lt3A_169 : i1 to i32
      %cond3A_171 = arith.constant 0 : i32
      %cond3A_172 = arith.cmpi ne, %convert_element_type3A_170, %cond3A_171 : i32
      scf.if %cond3A_172 {
        %add3A_173 = arith.constant 2 : i32
        %add3A_174 = arith.addi %add3A_140, %add3A_173 : i32
        %mul3A_175 = arith.constant 10000 : i32
        %mul3A_176 = arith.muli %add3A, %mul3A_175 : i32
        %mul3A_177 = arith.constant 80 : i32
        %mul3A_178 = arith.muli %add3A_174, %mul3A_177 : i32
        %add3A_179 = arith.addi %mul3A_176, %mul3A_178 : i32
        %dma_start3A_180 = tpu.memref_slice %arg3[%add3A_179] : memref<320000xi32, #tpu.memory_space<hbm>> -> memref<80xi32, #tpu.memory_space<hbm>>
        %dma_start3A_181 = tpu.memref_slice %arg3[%add3A_179] : memref<320000xi32, #tpu.memory_space<hbm>> -> memref<80xi32, #tpu.memory_space<hbm>>
        tpu.enqueue_dma source(%dma_start3A_181 : memref<80xi32, #tpu.memory_space<hbm>>) target(%arg6 : memref<80xi32, #tpu.memory_space<vmem>>) target_semaphore(%arg10 : memref<!tpu.dma_semaphore, #tpu.memory_space<semaphore_mem>>)
      } else {
      }
    }
    %scan3A_62 = arith.constant 61 : i32
    %dma_wait3A_63 = arith.constant 0 : i32
    %dma_wait3A_64 = tpu.memref_slice %arg3[%dma_wait3A_63] : memref<320000xi32, #tpu.memory_space<hbm>> -> memref<80xi32, #tpu.memory_space<hbm>>
    %dma_wait3A_65 = arith.constant 0 : i32
    %dma_wait3A_66 = tpu.memref_slice %arg3[%dma_wait3A_65] : memref<320000xi32, #tpu.memory_space<hbm>> -> memref<80xi32, #tpu.memory_space<hbm>>
    tpu.wait_dma2 semaphore(%arg9 : memref<!tpu.dma_semaphore, #tpu.memory_space<semaphore_mem>>) src(%dma_wait3A_66 : memref<80xi32, #tpu.memory_space<hbm>>) dst(%arg5 : memref<80xi32, #tpu.memory_space<vmem>>)
    %dma_wait3A_67 = arith.constant 0 : i32
    %dma_wait3A_68 = arith.constant 0 : i32
    %dma_wait3A_69 = tpu.memref_slice %arg4[%dma_wait3A_67, %dma_wait3A_68] : memref<320000x128xf32, #tpu.memory_space<hbm>> -> memref<80x128xf32, #tpu.memory_space<hbm>>
    %dma_wait3A_70 = arith.constant 0 : i32
    %dma_wait3A_71 = arith.constant 0 : i32
    %dma_wait3A_72 = tpu.memref_slice %arg4[%dma_wait3A_70, %dma_wait3A_71] : memref<320000x128xf32, #tpu.memory_space<hbm>> -> memref<80x128xf32, #tpu.memory_space<hbm>>
    tpu.wait_dma2 semaphore(%arg13 : memref<!tpu.dma_semaphore, #tpu.memory_space<semaphore_mem>>) src(%arg7 : memref<80x128xf32, #tpu.memory_space<vmem>>) dst(%dma_wait3A_72 : memref<80x128xf32, #tpu.memory_space<hbm>>)
    %dma_start3A_73 = arith.constant 0 : i32
    %dma_start3A_74 = arith.constant 0 : i32
    %dma_start3A_75 = tpu.memref_slice %arg2[%dma_start3A_73, %dma_start3A_74] : memref<10000x128xf32, #tpu.memory_space<hbm>> -> memref<10000x128xf32, #tpu.memory_space<hbm>>
    tpu.enqueue_indirect_dma source(%dma_start3A_75 : memref<10000x128xf32, #tpu.memory_space<hbm>>) target(%arg7 : memref<80x128xf32, #tpu.memory_space<vmem>>) offsets(%arg5 : memref<80xi32, #tpu.memory_space<vmem>>) semaphore(%arg11 : memref<!tpu.dma_semaphore, #tpu.memory_space<semaphore_mem>>)
    %dma_wait3A_76 = arith.constant 0 : i32
    %dma_wait3A_77 = arith.constant 0 : i32
    %dma_wait3A_78 = tpu.memref_slice %arg2[%dma_wait3A_76, %dma_wait3A_77] : memref<10000x128xf32, #tpu.memory_space<hbm>> -> memref<10000x128xf32, #tpu.memory_space<hbm>>
    tpu.wait_indirect_dma semaphore(%arg11 : memref<!tpu.dma_semaphore, #tpu.memory_space<semaphore_mem>>) src(%dma_wait3A_78 : memref<10000x128xf32, #tpu.memory_space<hbm>>) dst(%arg7 : memref<80x128xf32, #tpu.memory_space<vmem>>)
    %mul3A_79 = arith.constant 10000 : i32
    %mul3A_80 = arith.muli %add3A, %mul3A_79 : i32
    %add3A_81 = arith.constant 9920 : i32
    %add3A_82 = arith.addi %mul3A_80, %add3A_81 : i32
    %dma_start3A_83 = arith.constant 0 : i32
    %dma_start3A_84 = tpu.memref_slice %arg4[%add3A_82, %dma_start3A_83] : memref<320000x128xf32, #tpu.memory_space<hbm>> -> memref<80x128xf32, #tpu.memory_space<hbm>>
    %dma_start3A_85 = arith.constant 0 : i32
    %dma_start3A_86 = tpu.memref_slice %arg4[%add3A_82, %dma_start3A_85] : memref<320000x128xf32, #tpu.memory_space<hbm>> -> memref<80x128xf32, #tpu.memory_space<hbm>>
    tpu.enqueue_dma source(%arg7 : memref<80x128xf32, #tpu.memory_space<vmem>>) target(%dma_start3A_86 : memref<80x128xf32, #tpu.memory_space<hbm>>) target_semaphore(%arg13 : memref<!tpu.dma_semaphore, #tpu.memory_space<semaphore_mem>>)
    %dma_wait3A_87 = arith.constant 0 : i32
    %dma_wait3A_88 = arith.constant 0 : i32
    %dma_wait3A_89 = tpu.memref_slice %arg4[%dma_wait3A_87, %dma_wait3A_88] : memref<320000x128xf32, #tpu.memory_space<hbm>> -> memref<80x128xf32, #tpu.memory_space<hbm>>
    %dma_wait3A_90 = arith.constant 0 : i32
    %dma_wait3A_91 = arith.constant 0 : i32
    %dma_wait3A_92 = tpu.memref_slice %arg4[%dma_wait3A_90, %dma_wait3A_91] : memref<320000x128xf32, #tpu.memory_space<hbm>> -> memref<80x128xf32, #tpu.memory_space<hbm>>
    tpu.wait_dma2 semaphore(%arg14 : memref<!tpu.dma_semaphore, #tpu.memory_space<semaphore_mem>>) src(%arg8 : memref<80x128xf32, #tpu.memory_space<vmem>>) dst(%dma_wait3A_92 : memref<80x128xf32, #tpu.memory_space<hbm>>)
    %dma_wait3A_93 = arith.constant 0 : i32
    %dma_wait3A_94 = arith.constant 0 : i32
    %dma_wait3A_95 = tpu.memref_slice %arg4[%dma_wait3A_93, %dma_wait3A_94] : memref<320000x128xf32, #tpu.memory_space<hbm>> -> memref<80x128xf32, #tpu.memory_space<hbm>>
    %dma_wait3A_96 = arith.constant 0 : i32
    %dma_wait3A_97 = arith.constant 0 : i32
    %dma_wait3A_98 = tpu.memref_slice %arg4[%dma_wait3A_96, %dma_wait3A_97] : memref<320000x128xf32, #tpu.memory_space<hbm>> -> memref<80x128xf32, #tpu.memory_space<hbm>>
    tpu.wait_dma2 semaphore(%arg13 : memref<!tpu.dma_semaphore, #tpu.memory_space<semaphore_mem>>) src(%arg7 : memref<80x128xf32, #tpu.memory_space<vmem>>) dst(%dma_wait3A_98 : memref<80x128xf32, #tpu.memory_space<hbm>>)
    return
  }
}

#map = affine_map<(d0, d1) -> (0, 0)>
#map1 = affine_map<(d0, d1) -> (0)>
module attributes {stable_mosaic.version = 14 : i64} {
  func.func @k(%arg0: i32, %arg1: i32, %arg2: memref<320000x128xf32, #tpu.memory_space<hbm>>, %arg3: memref<320000xi32, #tpu.memory_space<hbm>>, %arg4: memref<10240xi32, #tpu.memory_space<hbm>>, %arg5: memref<20480x128xf32, #tpu.memory_space<hbm>>, %arg6: memref<160x128xf32, #tpu.memory_space<hbm>>, %arg7: memref<10240x128xf32, #tpu.memory_space<vmem_shared>>, %arg8: memref<80x128xf32, #tpu.memory_space<vmem_shared>>, %arg9: memref<80xi32, #tpu.memory_space<vmem>>, %arg10: memref<80xi32, #tpu.memory_space<vmem>>, %arg11: memref<80x128xf32, #tpu.memory_space<vmem>>, %arg12: memref<80x128xf32, #tpu.memory_space<vmem>>, %arg13: memref<80xi32, #tpu.memory_space<vmem>>, %arg14: memref<10240xf32, #tpu.memory_space<vmem>>, %arg15: memref<80x128xf32, #tpu.memory_space<vmem>>, %arg16: memref<!tpu.dma_semaphore, #tpu.memory_space<semaphore_mem>>, %arg17: memref<!tpu.dma_semaphore, #tpu.memory_space<semaphore_mem>>, %arg18: memref<!tpu.dma_semaphore, #tpu.memory_space<semaphore_mem>>, %arg19: memref<!tpu.dma_semaphore, #tpu.memory_space<semaphore_mem>>, %arg20: memref<!tpu.dma_semaphore, #tpu.memory_space<semaphore_mem>>, %arg21: memref<!tpu.dma_semaphore, #tpu.memory_space<semaphore_mem>>, %arg22: memref<!tpu.dma_semaphore, #tpu.memory_space<semaphore_mem>>) attributes {dimension_semantics = [#tpu.dimension_semantics<core_parallel>, #tpu.dimension_semantics<subcore_parallel>], iteration_bounds = array<i64: 2, 16>, scalar_prefetch = 0 : i64, scratch_operands = 16 : i64, tpu.core_type = #tpu.core_type<sc_vector_subcore>, window_params = [{transform_indices = #map}, {transform_indices = #map1}, {transform_indices = #map1}, {transform_indices = #map}, {transform_indices = #map}]} {
    %mul3A = arith.constant 2 : i32
    %mul3A_0 = arith.muli %arg1, %mul3A : i32
    %add3A = arith.addi %mul3A_0, %arg0 : i32
    %broadcast_in_dim3A = arith.constant 0.000000e+00 : f32
    %broadcast_in_dim3A_1 = vector.broadcast %broadcast_in_dim3A : f32 to vector<16xf32>
    %broadcast_in_dim3A_2 = arith.constant 1.000000e+00 : f32
    %broadcast_in_dim3A_3 = vector.broadcast %broadcast_in_dim3A_2 : f32 to vector<16xf32>
    %scan3A = arith.constant 0 : i32
    %scan3A_4 = arith.constant 80 : i32
    %scan3A_5 = arith.addi %scan3A, %scan3A_4 : i32
    %scan3A_6 = arith.constant 1 : i32
    scf.for %scan3A_156 = %scan3A to %scan3A_5 step %scan3A_6  : i32 {
      %mul3A_157 = arith.constant 1 : i32
      %mul3A_158 = arith.muli %scan3A_156, %mul3A_157 : i32
      %add3A_159 = arith.constant 0 : i32
      %add3A_160 = arith.addi %add3A_159, %mul3A_158 : i32
      %swap3A = arith.index_cast %add3A_160 : i32 to index
      %swap3A_161 = arith.constant 0 : index
      %swap3A_162 = tpu.vector_load %arg11[%swap3A, %swap3A_161] {strides = array<i32>} : memref<80x128xf32, #tpu.memory_space<vmem>>, vector<16xf32>,
      tpu.vector_store %arg11[%swap3A, %swap3A_161], %broadcast_in_dim3A_1 {strides = array<i32>} : memref<80x128xf32, #tpu.memory_space<vmem>>, vector<16xf32>,
      %swap3A_163 = arith.index_cast %add3A_160 : i32 to index
      %swap3A_164 = arith.constant 16 : index
      %swap3A_165 = tpu.vector_load %arg11[%swap3A_163, %swap3A_164] {strides = array<i32>} : memref<80x128xf32, #tpu.memory_space<vmem>>, vector<16xf32>,
      tpu.vector_store %arg11[%swap3A_163, %swap3A_164], %broadcast_in_dim3A_1 {strides = array<i32>} : memref<80x128xf32, #tpu.memory_space<vmem>>, vector<16xf32>,
      %swap3A_166 = arith.index_cast %add3A_160 : i32 to index
      %swap3A_167 = arith.constant 32 : index
      %swap3A_168 = tpu.vector_load %arg11[%swap3A_166, %swap3A_167] {strides = array<i32>} : memref<80x128xf32, #tpu.memory_space<vmem>>, vector<16xf32>,
      tpu.vector_store %arg11[%swap3A_166, %swap3A_167], %broadcast_in_dim3A_1 {strides = array<i32>} : memref<80x128xf32, #tpu.memory_space<vmem>>, vector<16xf32>,
      %swap3A_169 = arith.index_cast %add3A_160 : i32 to index
      %swap3A_170 = arith.constant 48 : index
      %swap3A_171 = tpu.vector_load %arg11[%swap3A_169, %swap3A_170] {strides = array<i32>} : memref<80x128xf32, #tpu.memory_space<vmem>>, vector<16xf32>,
      tpu.vector_store %arg11[%swap3A_169, %swap3A_170], %broadcast_in_dim3A_1 {strides = array<i32>} : memref<80x128xf32, #tpu.memory_space<vmem>>, vector<16xf32>,
      %swap3A_172 = arith.index_cast %add3A_160 : i32 to index
      %swap3A_173 = arith.constant 64 : index
      %swap3A_174 = tpu.vector_load %arg11[%swap3A_172, %swap3A_173] {strides = array<i32>} : memref<80x128xf32, #tpu.memory_space<vmem>>, vector<16xf32>,
      tpu.vector_store %arg11[%swap3A_172, %swap3A_173], %broadcast_in_dim3A_1 {strides = array<i32>} : memref<80x128xf32, #tpu.memory_space<vmem>>, vector<16xf32>,
      %swap3A_175 = arith.index_cast %add3A_160 : i32 to index
      %swap3A_176 = arith.constant 80 : index
      %swap3A_177 = tpu.vector_load %arg11[%swap3A_175, %swap3A_176] {strides = array<i32>} : memref<80x128xf32, #tpu.memory_space<vmem>>, vector<16xf32>,
      tpu.vector_store %arg11[%swap3A_175, %swap3A_176], %broadcast_in_dim3A_1 {strides = array<i32>} : memref<80x128xf32, #tpu.memory_space<vmem>>, vector<16xf32>,
      %swap3A_178 = arith.index_cast %add3A_160 : i32 to index
      %swap3A_179 = arith.constant 96 : index
      %swap3A_180 = tpu.vector_load %arg11[%swap3A_178, %swap3A_179] {strides = array<i32>} : memref<80x128xf32, #tpu.memory_space<vmem>>, vector<16xf32>,
      tpu.vector_store %arg11[%swap3A_178, %swap3A_179], %broadcast_in_dim3A_1 {strides = array<i32>} : memref<80x128xf32, #tpu.memory_space<vmem>>, vector<16xf32>,
      %swap3A_181 = arith.index_cast %add3A_160 : i32 to index
      %swap3A_182 = arith.constant 112 : index
      %swap3A_183 = tpu.vector_load %arg11[%swap3A_181, %swap3A_182] {strides = array<i32>} : memref<80x128xf32, #tpu.memory_space<vmem>>, vector<16xf32>,
      tpu.vector_store %arg11[%swap3A_181, %swap3A_182], %broadcast_in_dim3A_1 {strides = array<i32>} : memref<80x128xf32, #tpu.memory_space<vmem>>, vector<16xf32>,
    }
    %scan3A_7 = arith.constant 80 : i32
    %scan3A_8 = arith.constant 0 : i32
    %scan3A_9 = arith.constant 80 : i32
    %scan3A_10 = arith.addi %scan3A_8, %scan3A_9 : i32
    %scan3A_11 = arith.constant 1 : i32
    scf.for %scan3A_156 = %scan3A_8 to %scan3A_10 step %scan3A_11  : i32 {
      %mul3A_157 = arith.constant 1 : i32
      %mul3A_158 = arith.muli %scan3A_156, %mul3A_157 : i32
      %add3A_159 = arith.constant 0 : i32
      %add3A_160 = arith.addi %add3A_159, %mul3A_158 : i32
      %mul3A_161 = arith.constant 128 : i32
      %mul3A_162 = arith.muli %add3A_160, %mul3A_161 : i32
      %add3A_163 = arith.constant 0 : i32
      %add3A_164 = arith.addi %mul3A_162, %add3A_163 : i32
      %swap3A = arith.index_cast %add3A_164 : i32 to index
      %swap3A_165 = tpu.vector_load %arg14[%swap3A] {strides = array<i32>} : memref<10240xf32, #tpu.memory_space<vmem>>, vector<16xf32>,
      tpu.vector_store %arg14[%swap3A], %broadcast_in_dim3A_1 {strides = array<i32>} : memref<10240xf32, #tpu.memory_space<vmem>>, vector<16xf32>,
      %mul3A_166 = arith.constant 128 : i32
      %mul3A_167 = arith.muli %add3A_160, %mul3A_166 : i32
      %add3A_168 = arith.constant 16 : i32
      %add3A_169 = arith.addi %mul3A_167, %add3A_168 : i32
      %swap3A_170 = arith.index_cast %add3A_169 : i32 to index
      %swap3A_171 = tpu.vector_load %arg14[%swap3A_170] {strides = array<i32>} : memref<10240xf32, #tpu.memory_space<vmem>>, vector<16xf32>,
      tpu.vector_store %arg14[%swap3A_170], %broadcast_in_dim3A_1 {strides = array<i32>} : memref<10240xf32, #tpu.memory_space<vmem>>, vector<16xf32>,
      %mul3A_172 = arith.constant 128 : i32
      %mul3A_173 = arith.muli %add3A_160, %mul3A_172 : i32
      %add3A_174 = arith.constant 32 : i32
      %add3A_175 = arith.addi %mul3A_173, %add3A_174 : i32
      %swap3A_176 = arith.index_cast %add3A_175 : i32 to index
      %swap3A_177 = tpu.vector_load %arg14[%swap3A_176] {strides = array<i32>} : memref<10240xf32, #tpu.memory_space<vmem>>, vector<16xf32>,
      tpu.vector_store %arg14[%swap3A_176], %broadcast_in_dim3A_1 {strides = array<i32>} : memref<10240xf32, #tpu.memory_space<vmem>>, vector<16xf32>,
      %mul3A_178 = arith.constant 128 : i32
      %mul3A_179 = arith.muli %add3A_160, %mul3A_178 : i32
      %add3A_180 = arith.constant 48 : i32
      %add3A_181 = arith.addi %mul3A_179, %add3A_180 : i32
      %swap3A_182 = arith.index_cast %add3A_181 : i32 to index
      %swap3A_183 = tpu.vector_load %arg14[%swap3A_182] {strides = array<i32>} : memref<10240xf32, #tpu.memory_space<vmem>>, vector<16xf32>,
      tpu.vector_store %arg14[%swap3A_182], %broadcast_in_dim3A_1 {strides = array<i32>} : memref<10240xf32, #tpu.memory_space<vmem>>, vector<16xf32>,
      %mul3A_184 = arith.constant 128 : i32
      %mul3A_185 = arith.muli %add3A_160, %mul3A_184 : i32
      %add3A_186 = arith.constant 64 : i32
      %add3A_187 = arith.addi %mul3A_185, %add3A_186 : i32
      %swap3A_188 = arith.index_cast %add3A_187 : i32 to index
      %swap3A_189 = tpu.vector_load %arg14[%swap3A_188] {strides = array<i32>} : memref<10240xf32, #tpu.memory_space<vmem>>, vector<16xf32>,
      tpu.vector_store %arg14[%swap3A_188], %broadcast_in_dim3A_1 {strides = array<i32>} : memref<10240xf32, #tpu.memory_space<vmem>>, vector<16xf32>,
      %mul3A_190 = arith.constant 128 : i32
      %mul3A_191 = arith.muli %add3A_160, %mul3A_190 : i32
      %add3A_192 = arith.constant 80 : i32
      %add3A_193 = arith.addi %mul3A_191, %add3A_192 : i32
      %swap3A_194 = arith.index_cast %add3A_193 : i32 to index
      %swap3A_195 = tpu.vector_load %arg14[%swap3A_194] {strides = array<i32>} : memref<10240xf32, #tpu.memory_space<vmem>>, vector<16xf32>,
      tpu.vector_store %arg14[%swap3A_194], %broadcast_in_dim3A_1 {strides = array<i32>} : memref<10240xf32, #tpu.memory_space<vmem>>, vector<16xf32>,
      %mul3A_196 = arith.constant 128 : i32
      %mul3A_197 = arith.muli %add3A_160, %mul3A_196 : i32
      %add3A_198 = arith.constant 96 : i32
      %add3A_199 = arith.addi %mul3A_197, %add3A_198 : i32
      %swap3A_200 = arith.index_cast %add3A_199 : i32 to index
      %swap3A_201 = tpu.vector_load %arg14[%swap3A_200] {strides = array<i32>} : memref<10240xf32, #tpu.memory_space<vmem>>, vector<16xf32>,
      tpu.vector_store %arg14[%swap3A_200], %broadcast_in_dim3A_1 {strides = array<i32>} : memref<10240xf32, #tpu.memory_space<vmem>>, vector<16xf32>,
      %mul3A_202 = arith.constant 128 : i32
      %mul3A_203 = arith.muli %add3A_160, %mul3A_202 : i32
      %add3A_204 = arith.constant 112 : i32
      %add3A_205 = arith.addi %mul3A_203, %add3A_204 : i32
      %swap3A_206 = arith.index_cast %add3A_205 : i32 to index
      %swap3A_207 = tpu.vector_load %arg14[%swap3A_206] {strides = array<i32>} : memref<10240xf32, #tpu.memory_space<vmem>>, vector<16xf32>,
      tpu.vector_store %arg14[%swap3A_206], %broadcast_in_dim3A_1 {strides = array<i32>} : memref<10240xf32, #tpu.memory_space<vmem>>, vector<16xf32>,
    }
    %scan3A_12 = arith.constant 80 : i32
    %scan3A_13 = arith.constant 0 : i32
    %scan3A_14 = arith.constant 8 : i32
    %scan3A_15 = arith.addi %scan3A_13, %scan3A_14 : i32
    %scan3A_16 = arith.constant 1 : i32
    scf.for %scan3A_156 = %scan3A_13 to %scan3A_15 step %scan3A_16  : i32 {
      %mul3A_157 = arith.constant 1 : i32
      %mul3A_158 = arith.muli %scan3A_156, %mul3A_157 : i32
      %add3A_159 = arith.constant 0 : i32
      %add3A_160 = arith.addi %add3A_159, %mul3A_158 : i32
      %mul3A_161 = arith.constant 640 : i32
      %mul3A_162 = arith.muli %arg1, %mul3A_161 : i32
      %mul3A_163 = arith.constant 80 : i32
      %mul3A_164 = arith.muli %add3A_160, %mul3A_163 : i32
      %add3A_165 = arith.addi %mul3A_162, %mul3A_164 : i32
      "tpu.region"() ({
        %run_scoped3A = tpu.sem_alloc : memref<!tpu.dma_semaphore, #tpu.memory_space<semaphore_mem>>
        %dma_start3A_166 = tpu.memref_slice %arg4[%add3A_165] : memref<10240xi32, #tpu.memory_space<hbm>> -> memref<80xi32, #tpu.memory_space<hbm>>
        %dma_start3A_167 = tpu.memref_slice %arg4[%add3A_165] : memref<10240xi32, #tpu.memory_space<hbm>> -> memref<80xi32, #tpu.memory_space<hbm>>
        tpu.enqueue_dma source(%dma_start3A_167 : memref<80xi32, #tpu.memory_space<hbm>>) target(%arg13 : memref<80xi32, #tpu.memory_space<vmem>>) target_semaphore(%run_scoped3A : memref<!tpu.dma_semaphore, #tpu.memory_space<semaphore_mem>>)
        %dma_wait3A_168 = tpu.memref_slice %arg4[%add3A_165] : memref<10240xi32, #tpu.memory_space<hbm>> -> memref<80xi32, #tpu.memory_space<hbm>>
        %dma_wait3A_169 = tpu.memref_slice %arg4[%add3A_165] : memref<10240xi32, #tpu.memory_space<hbm>> -> memref<80xi32, #tpu.memory_space<hbm>>
        tpu.wait_dma2 semaphore(%run_scoped3A : memref<!tpu.dma_semaphore, #tpu.memory_space<semaphore_mem>>) src(%dma_wait3A_169 : memref<80xi32, #tpu.memory_space<hbm>>) dst(%arg13 : memref<80xi32, #tpu.memory_space<vmem>>)
        tpu.yield
      }) : () -> ()
      "tpu.region"() ({
        %run_scoped3A = tpu.sem_alloc : memref<!tpu.dma_semaphore, #tpu.memory_space<semaphore_mem>>
        %dma_start3A_166 = arith.constant 0 : i32
        %dma_start3A_167 = arith.constant 0 : i32
        %dma_start3A_168 = tpu.memref_slice %arg7[%dma_start3A_166, %dma_start3A_167] : memref<10240x128xf32, #tpu.memory_space<vmem_shared>> -> memref<10240x128xf32, #tpu.memory_space<vmem_shared>>
        tpu.enqueue_indirect_dma source(%arg11 : memref<80x128xf32, #tpu.memory_space<vmem>>) target(%dma_start3A_168 : memref<10240x128xf32, #tpu.memory_space<vmem_shared>>) offsets(%arg13 : memref<80xi32, #tpu.memory_space<vmem>>) semaphore(%run_scoped3A : memref<!tpu.dma_semaphore, #tpu.memory_space<semaphore_mem>>)
        %dma_wait3A_169 = arith.constant 0 : i32
        %dma_wait3A_170 = arith.constant 0 : i32
        %dma_wait3A_171 = tpu.memref_slice %arg7[%dma_wait3A_169, %dma_wait3A_170] : memref<10240x128xf32, #tpu.memory_space<vmem_shared>> -> memref<10240x128xf32, #tpu.memory_space<vmem_shared>>
        tpu.wait_indirect_dma semaphore(%run_scoped3A : memref<!tpu.dma_semaphore, #tpu.memory_space<semaphore_mem>>) src(%arg11 : memref<80x128xf32, #tpu.memory_space<vmem>>) dst(%dma_wait3A_171 : memref<10240x128xf32, #tpu.memory_space<vmem_shared>>)
        tpu.yield
      }) : () -> ()
    }
    %scan3A_17 = arith.constant 8 : i32
    %eq3A = arith.constant 0 : i32
    %eq3A_18 = arith.cmpi eq, %arg1, %eq3A : i32
    %convert_element_type3A = arith.extui %eq3A_18 : i1 to i32
    %cond3A = arith.constant 0 : i32
    %cond3A_19 = arith.cmpi ne, %convert_element_type3A, %cond3A : i32
    scf.if %cond3A_19 {
      "tpu.region"() ({
        %run_scoped3A = tpu.sem_alloc : memref<!tpu.dma_semaphore, #tpu.memory_space<semaphore_mem>>
        %dma_start3A_156 = arith.constant 0 : i32
        %dma_start3A_157 = tpu.memref_slice %arg4[%dma_start3A_156] : memref<10240xi32, #tpu.memory_space<hbm>> -> memref<80xi32, #tpu.memory_space<hbm>>
        %dma_start3A_158 = arith.constant 0 : i32
        %dma_start3A_159 = tpu.memref_slice %arg4[%dma_start3A_158] : memref<10240xi32, #tpu.memory_space<hbm>> -> memref<80xi32, #tpu.memory_space<hbm>>
        tpu.enqueue_dma source(%dma_start3A_159 : memref<80xi32, #tpu.memory_space<hbm>>) target(%arg13 : memref<80xi32, #tpu.memory_space<vmem>>) target_semaphore(%run_scoped3A : memref<!tpu.dma_semaphore, #tpu.memory_space<semaphore_mem>>)
        %dma_wait3A_160 = arith.constant 0 : i32
        %dma_wait3A_161 = tpu.memref_slice %arg4[%dma_wait3A_160] : memref<10240xi32, #tpu.memory_space<hbm>> -> memref<80xi32, #tpu.memory_space<hbm>>
        %dma_wait3A_162 = arith.constant 0 : i32
        %dma_wait3A_163 = tpu.memref_slice %arg4[%dma_wait3A_162] : memref<10240xi32, #tpu.memory_space<hbm>> -> memref<80xi32, #tpu.memory_space<hbm>>
        tpu.wait_dma2 semaphore(%run_scoped3A : memref<!tpu.dma_semaphore, #tpu.memory_space<semaphore_mem>>) src(%dma_wait3A_163 : memref<80xi32, #tpu.memory_space<hbm>>) dst(%arg13 : memref<80xi32, #tpu.memory_space<vmem>>)
        tpu.yield
      }) : () -> ()
      "tpu.region"() ({
        %run_scoped3A = tpu.sem_alloc : memref<!tpu.dma_semaphore, #tpu.memory_space<semaphore_mem>>
        %dma_start3A_156 = arith.constant 0 : i32
        %dma_start3A_157 = arith.constant 0 : i32
        %dma_start3A_158 = tpu.memref_slice %arg8[%dma_start3A_156, %dma_start3A_157] : memref<80x128xf32, #tpu.memory_space<vmem_shared>> -> memref<80x128xf32, #tpu.memory_space<vmem_shared>>
        tpu.enqueue_indirect_dma source(%arg11 : memref<80x128xf32, #tpu.memory_space<vmem>>) target(%dma_start3A_158 : memref<80x128xf32, #tpu.memory_space<vmem_shared>>) offsets(%arg13 : memref<80xi32, #tpu.memory_space<vmem>>) semaphore(%run_scoped3A : memref<!tpu.dma_semaphore, #tpu.memory_space<semaphore_mem>>)
        %dma_wait3A_159 = arith.constant 0 : i32
        %dma_wait3A_160 = arith.constant 0 : i32
        %dma_wait3A_161 = tpu.memref_slice %arg8[%dma_wait3A_159, %dma_wait3A_160] : memref<80x128xf32, #tpu.memory_space<vmem_shared>> -> memref<80x128xf32, #tpu.memory_space<vmem_shared>>
        tpu.wait_indirect_dma semaphore(%run_scoped3A : memref<!tpu.dma_semaphore, #tpu.memory_space<semaphore_mem>>) src(%arg11 : memref<80x128xf32, #tpu.memory_space<vmem>>) dst(%dma_wait3A_161 : memref<80x128xf32, #tpu.memory_space<vmem_shared>>)
        tpu.yield
      }) : () -> ()
    } else {
    }
    %barrier3A = arith.constant 0 : index
    tpu.barrier barrier_id(%barrier3A)
    %mul3A_20 = arith.constant 10000 : i32
    %mul3A_21 = arith.muli %add3A, %mul3A_20 : i32
    %add3A_22 = arith.constant 0 : i32
    %add3A_23 = arith.addi %mul3A_21, %add3A_22 : i32
    %dma_start3A = tpu.memref_slice %arg3[%add3A_23] : memref<320000xi32, #tpu.memory_space<hbm>> -> memref<80xi32, #tpu.memory_space<hbm>>
    %dma_start3A_24 = tpu.memref_slice %arg3[%add3A_23] : memref<320000xi32, #tpu.memory_space<hbm>> -> memref<80xi32, #tpu.memory_space<hbm>>
    tpu.enqueue_dma source(%dma_start3A_24 : memref<80xi32, #tpu.memory_space<hbm>>) target(%arg9 : memref<80xi32, #tpu.memory_space<vmem>>) target_semaphore(%arg17 : memref<!tpu.dma_semaphore, #tpu.memory_space<semaphore_mem>>)
    %dma_start3A_25 = arith.constant 0 : i32
    %dma_start3A_26 = tpu.memref_slice %arg2[%add3A_23, %dma_start3A_25] : memref<320000x128xf32, #tpu.memory_space<hbm>> -> memref<80x128xf32, #tpu.memory_space<hbm>>
    %dma_start3A_27 = arith.constant 0 : i32
    %dma_start3A_28 = tpu.memref_slice %arg2[%add3A_23, %dma_start3A_27] : memref<320000x128xf32, #tpu.memory_space<hbm>> -> memref<80x128xf32, #tpu.memory_space<hbm>>
    tpu.enqueue_dma source(%dma_start3A_28 : memref<80x128xf32, #tpu.memory_space<hbm>>) target(%arg11 : memref<80x128xf32, #tpu.memory_space<vmem>>) target_semaphore(%arg19 : memref<!tpu.dma_semaphore, #tpu.memory_space<semaphore_mem>>)
    %mul3A_29 = arith.constant 10000 : i32
    %mul3A_30 = arith.muli %add3A, %mul3A_29 : i32
    %add3A_31 = arith.constant 80 : i32
    %add3A_32 = arith.addi %mul3A_30, %add3A_31 : i32
    %dma_start3A_33 = tpu.memref_slice %arg3[%add3A_32] : memref<320000xi32, #tpu.memory_space<hbm>> -> memref<80xi32, #tpu.memory_space<hbm>>
    %dma_start3A_34 = tpu.memref_slice %arg3[%add3A_32] : memref<320000xi32, #tpu.memory_space<hbm>> -> memref<80xi32, #tpu.memory_space<hbm>>
    tpu.enqueue_dma source(%dma_start3A_34 : memref<80xi32, #tpu.memory_space<hbm>>) target(%arg10 : memref<80xi32, #tpu.memory_space<vmem>>) target_semaphore(%arg18 : memref<!tpu.dma_semaphore, #tpu.memory_space<semaphore_mem>>)
    %dma_start3A_35 = arith.constant 0 : i32
    %dma_start3A_36 = tpu.memref_slice %arg2[%add3A_32, %dma_start3A_35] : memref<320000x128xf32, #tpu.memory_space<hbm>> -> memref<80x128xf32, #tpu.memory_space<hbm>>
    %dma_start3A_37 = arith.constant 0 : i32
    %dma_start3A_38 = tpu.memref_slice %arg2[%add3A_32, %dma_start3A_37] : memref<320000x128xf32, #tpu.memory_space<hbm>> -> memref<80x128xf32, #tpu.memory_space<hbm>>
    tpu.enqueue_dma source(%dma_start3A_38 : memref<80x128xf32, #tpu.memory_space<hbm>>) target(%arg12 : memref<80x128xf32, #tpu.memory_space<vmem>>) target_semaphore(%arg20 : memref<!tpu.dma_semaphore, #tpu.memory_space<semaphore_mem>>)
    %dma_wait3A = arith.constant 0 : i32
    %dma_wait3A_39 = tpu.memref_slice %arg3[%dma_wait3A] : memref<320000xi32, #tpu.memory_space<hbm>> -> memref<80xi32, #tpu.memory_space<hbm>>
    %dma_wait3A_40 = arith.constant 0 : i32
    %dma_wait3A_41 = tpu.memref_slice %arg3[%dma_wait3A_40] : memref<320000xi32, #tpu.memory_space<hbm>> -> memref<80xi32, #tpu.memory_space<hbm>>
    tpu.wait_dma2 semaphore(%arg17 : memref<!tpu.dma_semaphore, #tpu.memory_space<semaphore_mem>>) src(%dma_wait3A_41 : memref<80xi32, #tpu.memory_space<hbm>>) dst(%arg9 : memref<80xi32, #tpu.memory_space<vmem>>)
    %dma_wait3A_42 = arith.constant 0 : i32
    %dma_wait3A_43 = arith.constant 0 : i32
    %dma_wait3A_44 = tpu.memref_slice %arg2[%dma_wait3A_42, %dma_wait3A_43] : memref<320000x128xf32, #tpu.memory_space<hbm>> -> memref<80x128xf32, #tpu.memory_space<hbm>>
    %dma_wait3A_45 = arith.constant 0 : i32
    %dma_wait3A_46 = arith.constant 0 : i32
    %dma_wait3A_47 = tpu.memref_slice %arg2[%dma_wait3A_45, %dma_wait3A_46] : memref<320000x128xf32, #tpu.memory_space<hbm>> -> memref<80x128xf32, #tpu.memory_space<hbm>>
    tpu.wait_dma2 semaphore(%arg19 : memref<!tpu.dma_semaphore, #tpu.memory_space<semaphore_mem>>) src(%dma_wait3A_47 : memref<80x128xf32, #tpu.memory_space<hbm>>) dst(%arg11 : memref<80x128xf32, #tpu.memory_space<vmem>>)
    %dma_start3A_48 = arith.constant 0 : i32
    %dma_start3A_49 = arith.constant 0 : i32
    %dma_start3A_50 = tpu.memref_slice %arg7[%dma_start3A_48, %dma_start3A_49] : memref<10240x128xf32, #tpu.memory_space<vmem_shared>> -> memref<10240x128xf32, #tpu.memory_space<vmem_shared>>
    tpu.enqueue_indirect_dma source(%arg11 : memref<80x128xf32, #tpu.memory_space<vmem>>) target(%dma_start3A_50 : memref<10240x128xf32, #tpu.memory_space<vmem_shared>>) offsets(%arg9 : memref<80xi32, #tpu.memory_space<vmem>>) semaphore(%arg21 : memref<!tpu.dma_semaphore, #tpu.memory_space<semaphore_mem>>) {add = true}
    %get3A = arith.constant 0 : index
    %get3A_51 = tpu.vector_load %arg9[%get3A] {strides = array<i32>} : memref<80xi32, #tpu.memory_space<vmem>>, vector<16xi32>,
    tpu.vector_store_idx %arg14[%get3A_51], %broadcast_in_dim3A_3 {add = true} : memref<10240xf32, #tpu.memory_space<vmem>>[vector<16xi32>], vector<16xf32>,
    %get3A_52 = arith.constant 16 : index
    %get3A_53 = tpu.vector_load %arg9[%get3A_52] {strides = array<i32>} : memref<80xi32, #tpu.memory_space<vmem>>, vector<16xi32>,
    tpu.vector_store_idx %arg14[%get3A_53], %broadcast_in_dim3A_3 {add = true} : memref<10240xf32, #tpu.memory_space<vmem>>[vector<16xi32>], vector<16xf32>,
    %get3A_54 = arith.constant 32 : index
    %get3A_55 = tpu.vector_load %arg9[%get3A_54] {strides = array<i32>} : memref<80xi32, #tpu.memory_space<vmem>>, vector<16xi32>,
    tpu.vector_store_idx %arg14[%get3A_55], %broadcast_in_dim3A_3 {add = true} : memref<10240xf32, #tpu.memory_space<vmem>>[vector<16xi32>], vector<16xf32>,
    %get3A_56 = arith.constant 48 : index
    %get3A_57 = tpu.vector_load %arg9[%get3A_56] {strides = array<i32>} : memref<80xi32, #tpu.memory_space<vmem>>, vector<16xi32>,
    tpu.vector_store_idx %arg14[%get3A_57], %broadcast_in_dim3A_3 {add = true} : memref<10240xf32, #tpu.memory_space<vmem>>[vector<16xi32>], vector<16xf32>,
    %get3A_58 = arith.constant 64 : index
    %get3A_59 = tpu.vector_load %arg9[%get3A_58] {strides = array<i32>} : memref<80xi32, #tpu.memory_space<vmem>>, vector<16xi32>,
    tpu.vector_store_idx %arg14[%get3A_59], %broadcast_in_dim3A_3 {add = true} : memref<10240xf32, #tpu.memory_space<vmem>>[vector<16xi32>], vector<16xf32>,
    %dma_wait3A_60 = arith.constant 0 : i32
    %dma_wait3A_61 = arith.constant 0 : i32
    %dma_wait3A_62 = tpu.memref_slice %arg7[%dma_wait3A_60, %dma_wait3A_61] : memref<10240x128xf32, #tpu.memory_space<vmem_shared>> -> memref<10240x128xf32, #tpu.memory_space<vmem_shared>>
    tpu.wait_indirect_dma semaphore(%arg21 : memref<!tpu.dma_semaphore, #tpu.memory_space<semaphore_mem>>) src(%arg11 : memref<80x128xf32, #tpu.memory_space<vmem>>) dst(%dma_wait3A_62 : memref<10240x128xf32, #tpu.memory_space<vmem_shared>>)
    %mul3A_63 = arith.constant 10000 : i32
    %mul3A_64 = arith.muli %add3A, %mul3A_63 : i32
    %add3A_65 = arith.constant 160 : i32
    %add3A_66 = arith.addi %mul3A_64, %add3A_65 : i32
    %dma_start3A_67 = tpu.memref_slice %arg3[%add3A_66] : memref<320000xi32, #tpu.memory_space<hbm>> -> memref<80xi32, #tpu.memory_space<hbm>>
    %dma_start3A_68 = tpu.memref_slice %arg3[%add3A_66] : memref<320000xi32, #tpu.memory_space<hbm>> -> memref<80xi32, #tpu.memory_space<hbm>>
    tpu.enqueue_dma source(%dma_start3A_68 : memref<80xi32, #tpu.memory_space<hbm>>) target(%arg9 : memref<80xi32, #tpu.memory_space<vmem>>) target_semaphore(%arg17 : memref<!tpu.dma_semaphore, #tpu.memory_space<semaphore_mem>>)
    %dma_start3A_69 = arith.constant 0 : i32
    %dma_start3A_70 = tpu.memref_slice %arg2[%add3A_66, %dma_start3A_69] : memref<320000x128xf32, #tpu.memory_space<hbm>> -> memref<80x128xf32, #tpu.memory_space<hbm>>
    %dma_start3A_71 = arith.constant 0 : i32
    %dma_start3A_72 = tpu.memref_slice %arg2[%add3A_66, %dma_start3A_71] : memref<320000x128xf32, #tpu.memory_space<hbm>> -> memref<80x128xf32, #tpu.memory_space<hbm>>
    tpu.enqueue_dma source(%dma_start3A_72 : memref<80x128xf32, #tpu.memory_space<hbm>>) target(%arg11 : memref<80x128xf32, #tpu.memory_space<vmem>>) target_semaphore(%arg19 : memref<!tpu.dma_semaphore, #tpu.memory_space<semaphore_mem>>)
    %dma_wait3A_73 = arith.constant 0 : i32
    %dma_wait3A_74 = tpu.memref_slice %arg3[%dma_wait3A_73] : memref<320000xi32, #tpu.memory_space<hbm>> -> memref<80xi32, #tpu.memory_space<hbm>>
    %dma_wait3A_75 = arith.constant 0 : i32
    %dma_wait3A_76 = tpu.memref_slice %arg3[%dma_wait3A_75] : memref<320000xi32, #tpu.memory_space<hbm>> -> memref<80xi32, #tpu.memory_space<hbm>>
    tpu.wait_dma2 semaphore(%arg18 : memref<!tpu.dma_semaphore, #tpu.memory_space<semaphore_mem>>) src(%dma_wait3A_76 : memref<80xi32, #tpu.memory_space<hbm>>) dst(%arg10 : memref<80xi32, #tpu.memory_space<vmem>>)
    %dma_wait3A_77 = arith.constant 0 : i32
    %dma_wait3A_78 = arith.constant 0 : i32
    %dma_wait3A_79 = tpu.memref_slice %arg2[%dma_wait3A_77, %dma_wait3A_78] : memref<320000x128xf32, #tpu.memory_space<hbm>> -> memref<80x128xf32, #tpu.memory_space<hbm>>
    %dma_wait3A_80 = arith.constant 0 : i32
    %dma_wait3A_81 = arith.constant 0 : i32
    %dma_wait3A_82 = tpu.memref_slice %arg2[%dma_wait3A_80, %dma_wait3A_81] : memref<320000x128xf32, #tpu.memory_space<hbm>> -> memref<80x128xf32, #tpu.memory_space<hbm>>
    tpu.wait_dma2 semaphore(%arg20 : memref<!tpu.dma_semaphore, #tpu.memory_space<semaphore_mem>>) src(%dma_wait3A_82 : memref<80x128xf32, #tpu.memory_space<hbm>>) dst(%arg12 : memref<80x128xf32, #tpu.memory_space<vmem>>)
    %dma_start3A_83 = arith.constant 0 : i32
    %dma_start3A_84 = arith.constant 0 : i32
    %dma_start3A_85 = tpu.memref_slice %arg7[%dma_start3A_83, %dma_start3A_84] : memref<10240x128xf32, #tpu.memory_space<vmem_shared>> -> memref<10240x128xf32, #tpu.memory_space<vmem_shared>>
    tpu.enqueue_indirect_dma source(%arg12 : memref<80x128xf32, #tpu.memory_space<vmem>>) target(%dma_start3A_85 : memref<10240x128xf32, #tpu.memory_space<vmem_shared>>) offsets(%arg10 : memref<80xi32, #tpu.memory_space<vmem>>) semaphore(%arg22 : memref<!tpu.dma_semaphore, #tpu.memory_space<semaphore_mem>>) {add = true}
    %get3A_86 = arith.constant 0 : index
    %get3A_87 = tpu.vector_load %arg10[%get3A_86] {strides = array<i32>} : memref<80xi32, #tpu.memory_space<vmem>>, vector<16xi32>,
    tpu.vector_store_idx %arg14[%get3A_87], %broadcast_in_dim3A_3 {add = true} : memref<10240xf32, #tpu.memory_space<vmem>>[vector<16xi32>], vector<16xf32>,
    %get3A_88 = arith.constant 16 : index
    %get3A_89 = tpu.vector_load %arg10[%get3A_88] {strides = array<i32>} : memref<80xi32, #tpu.memory_space<vmem>>, vector<16xi32>,
    tpu.vector_store_idx %arg14[%get3A_89], %broadcast_in_dim3A_3 {add = true} : memref<10240xf32, #tpu.memory_space<vmem>>[vector<16xi32>], vector<16xf32>,
    %get3A_90 = arith.constant 32 : index
    %get3A_91 = tpu.vector_load %arg10[%get3A_90] {strides = array<i32>} : memref<80xi32, #tpu.memory_space<vmem>>, vector<16xi32>,
    tpu.vector_store_idx %arg14[%get3A_91], %broadcast_in_dim3A_3 {add = true} : memref<10240xf32, #tpu.memory_space<vmem>>[vector<16xi32>], vector<16xf32>,
    %get3A_92 = arith.constant 48 : index
    %get3A_93 = tpu.vector_load %arg10[%get3A_92] {strides = array<i32>} : memref<80xi32, #tpu.memory_space<vmem>>, vector<16xi32>,
    tpu.vector_store_idx %arg14[%get3A_93], %broadcast_in_dim3A_3 {add = true} : memref<10240xf32, #tpu.memory_space<vmem>>[vector<16xi32>], vector<16xf32>,
    %get3A_94 = arith.constant 64 : index
    %get3A_95 = tpu.vector_load %arg10[%get3A_94] {strides = array<i32>} : memref<80xi32, #tpu.memory_space<vmem>>, vector<16xi32>,
    tpu.vector_store_idx %arg14[%get3A_95], %broadcast_in_dim3A_3 {add = true} : memref<10240xf32, #tpu.memory_space<vmem>>[vector<16xi32>], vector<16xf32>,
    %dma_wait3A_96 = arith.constant 0 : i32
    %dma_wait3A_97 = arith.constant 0 : i32
    %dma_wait3A_98 = tpu.memref_slice %arg7[%dma_wait3A_96, %dma_wait3A_97] : memref<10240x128xf32, #tpu.memory_space<vmem_shared>> -> memref<10240x128xf32, #tpu.memory_space<vmem_shared>>
    tpu.wait_indirect_dma semaphore(%arg22 : memref<!tpu.dma_semaphore, #tpu.memory_space<semaphore_mem>>) src(%arg12 : memref<80x128xf32, #tpu.memory_space<vmem>>) dst(%dma_wait3A_98 : memref<10240x128xf32, #tpu.memory_space<vmem_shared>>)
    %mul3A_99 = arith.constant 10000 : i32
    %mul3A_100 = arith.muli %add3A, %mul3A_99 : i32
    %add3A_101 = arith.constant 240 : i32
    %add3A_102 = arith.addi %mul3A_100, %add3A_101 : i32
    %dma_start3A_103 = tpu.memref_slice %arg3[%add3A_102] : memref<320000xi32, #tpu.memory_space<hbm>> -> memref<80xi32, #tpu.memory_space<hbm>>
    %dma_start3A_104 = tpu.memref_slice %arg3[%add3A_102] : memref<320000xi32, #tpu.memory_space<hbm>> -> memref<80xi32, #tpu.memory_space<hbm>>
    tpu.enqueue_dma source(%dma_start3A_104 : memref<80xi32, #tpu.memory_space<hbm>>) target(%arg10 : memref<80xi32, #tpu.memory_space<vmem>>) target_semaphore(%arg18 : memref<!tpu.dma_semaphore, #tpu.memory_space<semaphore_mem>>)
    %dma_start3A_105 = arith.constant 0 : i32
    %dma_start3A_106 = tpu.memref_slice %arg2[%add3A_102, %dma_start3A_105] : memref<320000x128xf32, #tpu.memory_space<hbm>> -> memref<80x128xf32, #tpu.memory_space<hbm>>
    %dma_start3A_107 = arith.constant 0 : i32
    %dma_start3A_108 = tpu.memref_slice %arg2[%add3A_102, %dma_start3A_107] : memref<320000x128xf32, #tpu.memory_space<hbm>> -> memref<80x128xf32, #tpu.memory_space<hbm>>
    tpu.enqueue_dma source(%dma_start3A_108 : memref<80x128xf32, #tpu.memory_space<hbm>>) target(%arg12 : memref<80x128xf32, #tpu.memory_space<vmem>>) target_semaphore(%arg20 : memref<!tpu.dma_semaphore, #tpu.memory_space<semaphore_mem>>)
    %scan3A_109 = arith.constant 0 : i32
    %scan3A_110 = arith.constant 61 : i32
    %scan3A_111 = arith.addi %scan3A_109, %scan3A_110 : i32
    %scan3A_112 = arith.constant 1 : i32
    scf.for %scan3A_156 = %scan3A_109 to %scan3A_111 step %scan3A_112  : i32 {
      %mul3A_157 = arith.constant 1 : i32
      %mul3A_158 = arith.muli %scan3A_156, %mul3A_157 : i32
      %add3A_159 = arith.constant 1 : i32
      %add3A_160 = arith.addi %add3A_159, %mul3A_158 : i32
      %mul3A_161 = arith.constant 2 : i32
      %mul3A_162 = arith.muli %mul3A_161, %add3A_160 : i32
      %add3A_163 = arith.constant 0 : i32
      %add3A_164 = arith.addi %mul3A_162, %add3A_163 : i32
      %dma_wait3A_165 = arith.constant 0 : i32
      %dma_wait3A_166 = tpu.memref_slice %arg3[%dma_wait3A_165] : memref<320000xi32, #tpu.memory_space<hbm>> -> memref<80xi32, #tpu.memory_space<hbm>>
      %dma_wait3A_167 = arith.constant 0 : i32
      %dma_wait3A_168 = tpu.memref_slice %arg3[%dma_wait3A_167] : memref<320000xi32, #tpu.memory_space<hbm>> -> memref<80xi32, #tpu.memory_space<hbm>>
      tpu.wait_dma2 semaphore(%arg17 : memref<!tpu.dma_semaphore, #tpu.memory_space<semaphore_mem>>) src(%dma_wait3A_168 : memref<80xi32, #tpu.memory_space<hbm>>) dst(%arg9 : memref<80xi32, #tpu.memory_space<vmem>>)
      %dma_wait3A_169 = arith.constant 0 : i32
      %dma_wait3A_170 = arith.constant 0 : i32
      %dma_wait3A_171 = tpu.memref_slice %arg2[%dma_wait3A_169, %dma_wait3A_170] : memref<320000x128xf32, #tpu.memory_space<hbm>> -> memref<80x128xf32, #tpu.memory_space<hbm>>
      %dma_wait3A_172 = arith.constant 0 : i32
      %dma_wait3A_173 = arith.constant 0 : i32
      %dma_wait3A_174 = tpu.memref_slice %arg2[%dma_wait3A_172, %dma_wait3A_173] : memref<320000x128xf32, #tpu.memory_space<hbm>> -> memref<80x128xf32, #tpu.memory_space<hbm>>
      tpu.wait_dma2 semaphore(%arg19 : memref<!tpu.dma_semaphore, #tpu.memory_space<semaphore_mem>>) src(%dma_wait3A_174 : memref<80x128xf32, #tpu.memory_space<hbm>>) dst(%arg11 : memref<80x128xf32, #tpu.memory_space<vmem>>)
      %dma_start3A_175 = arith.constant 0 : i32
      %dma_start3A_176 = arith.constant 0 : i32
      %dma_start3A_177 = tpu.memref_slice %arg7[%dma_start3A_175, %dma_start3A_176] : memref<10240x128xf32, #tpu.memory_space<vmem_shared>> -> memref<10240x128xf32, #tpu.memory_space<vmem_shared>>
      tpu.enqueue_indirect_dma source(%arg11 : memref<80x128xf32, #tpu.memory_space<vmem>>) target(%dma_start3A_177 : memref<10240x128xf32, #tpu.memory_space<vmem_shared>>) offsets(%arg9 : memref<80xi32, #tpu.memory_space<vmem>>) semaphore(%arg21 : memref<!tpu.dma_semaphore, #tpu.memory_space<semaphore_mem>>) {add = true}
      %get3A_178 = arith.constant 0 : index
      %get3A_179 = tpu.vector_load %arg9[%get3A_178] {strides = array<i32>} : memref<80xi32, #tpu.memory_space<vmem>>, vector<16xi32>,
      tpu.vector_store_idx %arg14[%get3A_179], %broadcast_in_dim3A_3 {add = true} : memref<10240xf32, #tpu.memory_space<vmem>>[vector<16xi32>], vector<16xf32>,
      %get3A_180 = arith.constant 16 : index
      %get3A_181 = tpu.vector_load %arg9[%get3A_180] {strides = array<i32>} : memref<80xi32, #tpu.memory_space<vmem>>, vector<16xi32>,
      tpu.vector_store_idx %arg14[%get3A_181], %broadcast_in_dim3A_3 {add = true} : memref<10240xf32, #tpu.memory_space<vmem>>[vector<16xi32>], vector<16xf32>,
      %get3A_182 = arith.constant 32 : index
      %get3A_183 = tpu.vector_load %arg9[%get3A_182] {strides = array<i32>} : memref<80xi32, #tpu.memory_space<vmem>>, vector<16xi32>,
      tpu.vector_store_idx %arg14[%get3A_183], %broadcast_in_dim3A_3 {add = true} : memref<10240xf32, #tpu.memory_space<vmem>>[vector<16xi32>], vector<16xf32>,
      %get3A_184 = arith.constant 48 : index
      %get3A_185 = tpu.vector_load %arg9[%get3A_184] {strides = array<i32>} : memref<80xi32, #tpu.memory_space<vmem>>, vector<16xi32>,
      tpu.vector_store_idx %arg14[%get3A_185], %broadcast_in_dim3A_3 {add = true} : memref<10240xf32, #tpu.memory_space<vmem>>[vector<16xi32>], vector<16xf32>,
      %get3A_186 = arith.constant 64 : index
      %get3A_187 = tpu.vector_load %arg9[%get3A_186] {strides = array<i32>} : memref<80xi32, #tpu.memory_space<vmem>>, vector<16xi32>,
      tpu.vector_store_idx %arg14[%get3A_187], %broadcast_in_dim3A_3 {add = true} : memref<10240xf32, #tpu.memory_space<vmem>>[vector<16xi32>], vector<16xf32>,
      %dma_wait3A_188 = arith.constant 0 : i32
      %dma_wait3A_189 = arith.constant 0 : i32
      %dma_wait3A_190 = tpu.memref_slice %arg7[%dma_wait3A_188, %dma_wait3A_189] : memref<10240x128xf32, #tpu.memory_space<vmem_shared>> -> memref<10240x128xf32, #tpu.memory_space<vmem_shared>>
      tpu.wait_indirect_dma semaphore(%arg21 : memref<!tpu.dma_semaphore, #tpu.memory_space<semaphore_mem>>) src(%arg11 : memref<80x128xf32, #tpu.memory_space<vmem>>) dst(%dma_wait3A_190 : memref<10240x128xf32, #tpu.memory_space<vmem_shared>>)
      %add3A_191 = arith.constant 2 : i32
      %add3A_192 = arith.addi %add3A_164, %add3A_191 : i32
      %lt3A = arith.constant 125 : i32
      %lt3A_193 = arith.cmpi slt, %add3A_192, %lt3A : i32
      %convert_element_type3A_194 = arith.extui %lt3A_193 : i1 to i32
      %cond3A_195 = arith.constant 0 : i32
      %cond3A_196 = arith.cmpi ne, %convert_element_type3A_194, %cond3A_195 : i32
      scf.if %cond3A_196 {
        %add3A_234 = arith.constant 2 : i32
        %add3A_235 = arith.addi %add3A_164, %add3A_234 : i32
        %mul3A_236 = arith.constant 10000 : i32
        %mul3A_237 = arith.muli %add3A, %mul3A_236 : i32
        %mul3A_238 = arith.constant 80 : i32
        %mul3A_239 = arith.muli %add3A_235, %mul3A_238 : i32
        %add3A_240 = arith.addi %mul3A_237, %mul3A_239 : i32
        %dma_start3A_241 = tpu.memref_slice %arg3[%add3A_240] : memref<320000xi32, #tpu.memory_space<hbm>> -> memref<80xi32, #tpu.memory_space<hbm>>
        %dma_start3A_242 = tpu.memref_slice %arg3[%add3A_240] : memref<320000xi32, #tpu.memory_space<hbm>> -> memref<80xi32, #tpu.memory_space<hbm>>
        tpu.enqueue_dma source(%dma_start3A_242 : memref<80xi32, #tpu.memory_space<hbm>>) target(%arg9 : memref<80xi32, #tpu.memory_space<vmem>>) target_semaphore(%arg17 : memref<!tpu.dma_semaphore, #tpu.memory_space<semaphore_mem>>)
        %dma_start3A_243 = arith.constant 0 : i32
        %dma_start3A_244 = tpu.memref_slice %arg2[%add3A_240, %dma_start3A_243] : memref<320000x128xf32, #tpu.memory_space<hbm>> -> memref<80x128xf32, #tpu.memory_space<hbm>>
        %dma_start3A_245 = arith.constant 0 : i32
        %dma_start3A_246 = tpu.memref_slice %arg2[%add3A_240, %dma_start3A_245] : memref<320000x128xf32, #tpu.memory_space<hbm>> -> memref<80x128xf32, #tpu.memory_space<hbm>>
        tpu.enqueue_dma source(%dma_start3A_246 : memref<80x128xf32, #tpu.memory_space<hbm>>) target(%arg11 : memref<80x128xf32, #tpu.memory_space<vmem>>) target_semaphore(%arg19 : memref<!tpu.dma_semaphore, #tpu.memory_space<semaphore_mem>>)
      } else {
      }
      %mul3A_197 = arith.constant 2 : i32
      %mul3A_198 = arith.muli %mul3A_197, %add3A_160 : i32
      %add3A_199 = arith.constant 1 : i32
      %add3A_200 = arith.addi %mul3A_198, %add3A_199 : i32
      %dma_wait3A_201 = arith.constant 0 : i32
      %dma_wait3A_202 = tpu.memref_slice %arg3[%dma_wait3A_201] : memref<320000xi32, #tpu.memory_space<hbm>> -> memref<80xi32, #tpu.memory_space<hbm>>
      %dma_wait3A_203 = arith.constant 0 : i32
      %dma_wait3A_204 = tpu.memref_slice %arg3[%dma_wait3A_203] : memref<320000xi32, #tpu.memory_space<hbm>> -> memref<80xi32, #tpu.memory_space<hbm>>
      tpu.wait_dma2 semaphore(%arg18 : memref<!tpu.dma_semaphore, #tpu.memory_space<semaphore_mem>>) src(%dma_wait3A_204 : memref<80xi32, #tpu.memory_space<hbm>>) dst(%arg10 : memref<80xi32, #tpu.memory_space<vmem>>)
      %dma_wait3A_205 = arith.constant 0 : i32
      %dma_wait3A_206 = arith.constant 0 : i32
      %dma_wait3A_207 = tpu.memref_slice %arg2[%dma_wait3A_205, %dma_wait3A_206] : memref<320000x128xf32, #tpu.memory_space<hbm>> -> memref<80x128xf32, #tpu.memory_space<hbm>>
      %dma_wait3A_208 = arith.constant 0 : i32
      %dma_wait3A_209 = arith.constant 0 : i32
      %dma_wait3A_210 = tpu.memref_slice %arg2[%dma_wait3A_208, %dma_wait3A_209] : memref<320000x128xf32, #tpu.memory_space<hbm>> -> memref<80x128xf32, #tpu.memory_space<hbm>>
      tpu.wait_dma2 semaphore(%arg20 : memref<!tpu.dma_semaphore, #tpu.memory_space<semaphore_mem>>) src(%dma_wait3A_210 : memref<80x128xf32, #tpu.memory_space<hbm>>) dst(%arg12 : memref<80x128xf32, #tpu.memory_space<vmem>>)
      %dma_start3A_211 = arith.constant 0 : i32
      %dma_start3A_212 = arith.constant 0 : i32
      %dma_start3A_213 = tpu.memref_slice %arg7[%dma_start3A_211, %dma_start3A_212] : memref<10240x128xf32, #tpu.memory_space<vmem_shared>> -> memref<10240x128xf32, #tpu.memory_space<vmem_shared>>
      tpu.enqueue_indirect_dma source(%arg12 : memref<80x128xf32, #tpu.memory_space<vmem>>) target(%dma_start3A_213 : memref<10240x128xf32, #tpu.memory_space<vmem_shared>>) offsets(%arg10 : memref<80xi32, #tpu.memory_space<vmem>>) semaphore(%arg22 : memref<!tpu.dma_semaphore, #tpu.memory_space<semaphore_mem>>) {add = true}
      %get3A_214 = arith.constant 0 : index
      %get3A_215 = tpu.vector_load %arg10[%get3A_214] {strides = array<i32>} : memref<80xi32, #tpu.memory_space<vmem>>, vector<16xi32>,
      tpu.vector_store_idx %arg14[%get3A_215], %broadcast_in_dim3A_3 {add = true} : memref<10240xf32, #tpu.memory_space<vmem>>[vector<16xi32>], vector<16xf32>,
      %get3A_216 = arith.constant 16 : index
      %get3A_217 = tpu.vector_load %arg10[%get3A_216] {strides = array<i32>} : memref<80xi32, #tpu.memory_space<vmem>>, vector<16xi32>,
      tpu.vector_store_idx %arg14[%get3A_217], %broadcast_in_dim3A_3 {add = true} : memref<10240xf32, #tpu.memory_space<vmem>>[vector<16xi32>], vector<16xf32>,
      %get3A_218 = arith.constant 32 : index
      %get3A_219 = tpu.vector_load %arg10[%get3A_218] {strides = array<i32>} : memref<80xi32, #tpu.memory_space<vmem>>, vector<16xi32>,
      tpu.vector_store_idx %arg14[%get3A_219], %broadcast_in_dim3A_3 {add = true} : memref<10240xf32, #tpu.memory_space<vmem>>[vector<16xi32>], vector<16xf32>,
      %get3A_220 = arith.constant 48 : index
      %get3A_221 = tpu.vector_load %arg10[%get3A_220] {strides = array<i32>} : memref<80xi32, #tpu.memory_space<vmem>>, vector<16xi32>,
      tpu.vector_store_idx %arg14[%get3A_221], %broadcast_in_dim3A_3 {add = true} : memref<10240xf32, #tpu.memory_space<vmem>>[vector<16xi32>], vector<16xf32>,
      %get3A_222 = arith.constant 64 : index
      %get3A_223 = tpu.vector_load %arg10[%get3A_222] {strides = array<i32>} : memref<80xi32, #tpu.memory_space<vmem>>, vector<16xi32>,
      tpu.vector_store_idx %arg14[%get3A_223], %broadcast_in_dim3A_3 {add = true} : memref<10240xf32, #tpu.memory_space<vmem>>[vector<16xi32>], vector<16xf32>,
      %dma_wait3A_224 = arith.constant 0 : i32
      %dma_wait3A_225 = arith.constant 0 : i32
      %dma_wait3A_226 = tpu.memref_slice %arg7[%dma_wait3A_224, %dma_wait3A_225] : memref<10240x128xf32, #tpu.memory_space<vmem_shared>> -> memref<10240x128xf32, #tpu.memory_space<vmem_shared>>
      tpu.wait_indirect_dma semaphore(%arg22 : memref<!tpu.dma_semaphore, #tpu.memory_space<semaphore_mem>>) src(%arg12 : memref<80x128xf32, #tpu.memory_space<vmem>>) dst(%dma_wait3A_226 : memref<10240x128xf32, #tpu.memory_space<vmem_shared>>)
      %add3A_227 = arith.constant 2 : i32
      %add3A_228 = arith.addi %add3A_200, %add3A_227 : i32
      %lt3A_229 = arith.constant 125 : i32
      %lt3A_230 = arith.cmpi slt, %add3A_228, %lt3A_229 : i32
      %convert_element_type3A_231 = arith.extui %lt3A_230 : i1 to i32
      %cond3A_232 = arith.constant 0 : i32
      %cond3A_233 = arith.cmpi ne, %convert_element_type3A_231, %cond3A_232 : i32
      scf.if %cond3A_233 {
        %add3A_234 = arith.constant 2 : i32
        %add3A_235 = arith.addi %add3A_200, %add3A_234 : i32
        %mul3A_236 = arith.constant 10000 : i32
        %mul3A_237 = arith.muli %add3A, %mul3A_236 : i32
        %mul3A_238 = arith.constant 80 : i32
        %mul3A_239 = arith.muli %add3A_235, %mul3A_238 : i32
        %add3A_240 = arith.addi %mul3A_237, %mul3A_239 : i32
        %dma_start3A_241 = tpu.memref_slice %arg3[%add3A_240] : memref<320000xi32, #tpu.memory_space<hbm>> -> memref<80xi32, #tpu.memory_space<hbm>>
        %dma_start3A_242 = tpu.memref_slice %arg3[%add3A_240] : memref<320000xi32, #tpu.memory_space<hbm>> -> memref<80xi32, #tpu.memory_space<hbm>>
        tpu.enqueue_dma source(%dma_start3A_242 : memref<80xi32, #tpu.memory_space<hbm>>) target(%arg10 : memref<80xi32, #tpu.memory_space<vmem>>) target_semaphore(%arg18 : memref<!tpu.dma_semaphore, #tpu.memory_space<semaphore_mem>>)
        %dma_start3A_243 = arith.constant 0 : i32
        %dma_start3A_244 = tpu.memref_slice %arg2[%add3A_240, %dma_start3A_243] : memref<320000x128xf32, #tpu.memory_space<hbm>> -> memref<80x128xf32, #tpu.memory_space<hbm>>
        %dma_start3A_245 = arith.constant 0 : i32
        %dma_start3A_246 = tpu.memref_slice %arg2[%add3A_240, %dma_start3A_245] : memref<320000x128xf32, #tpu.memory_space<hbm>> -> memref<80x128xf32, #tpu.memory_space<hbm>>
        tpu.enqueue_dma source(%dma_start3A_246 : memref<80x128xf32, #tpu.memory_space<hbm>>) target(%arg12 : memref<80x128xf32, #tpu.memory_space<vmem>>) target_semaphore(%arg20 : memref<!tpu.dma_semaphore, #tpu.memory_space<semaphore_mem>>)
      } else {
      }
    }
    %scan3A_113 = arith.constant 61 : i32
    %dma_wait3A_114 = arith.constant 0 : i32
    %dma_wait3A_115 = tpu.memref_slice %arg3[%dma_wait3A_114] : memref<320000xi32, #tpu.memory_space<hbm>> -> memref<80xi32, #tpu.memory_space<hbm>>
    %dma_wait3A_116 = arith.constant 0 : i32
    %dma_wait3A_117 = tpu.memref_slice %arg3[%dma_wait3A_116] : memref<320000xi32, #tpu.memory_space<hbm>> -> memref<80xi32, #tpu.memory_space<hbm>>
    tpu.wait_dma2 semaphore(%arg17 : memref<!tpu.dma_semaphore, #tpu.memory_space<semaphore_mem>>) src(%dma_wait3A_117 : memref<80xi32, #tpu.memory_space<hbm>>) dst(%arg9 : memref<80xi32, #tpu.memory_space<vmem>>)
    %dma_wait3A_118 = arith.constant 0 : i32
    %dma_wait3A_119 = arith.constant 0 : i32
    %dma_wait3A_120 = tpu.memref_slice %arg2[%dma_wait3A_118, %dma_wait3A_119] : memref<320000x128xf32, #tpu.memory_space<hbm>> -> memref<80x128xf32, #tpu.memory_space<hbm>>
    %dma_wait3A_121 = arith.constant 0 : i32
    %dma_wait3A_122 = arith.constant 0 : i32
    %dma_wait3A_123 = tpu.memref_slice %arg2[%dma_wait3A_121, %dma_wait3A_122] : memref<320000x128xf32, #tpu.memory_space<hbm>> -> memref<80x128xf32, #tpu.memory_space<hbm>>
    tpu.wait_dma2 semaphore(%arg19 : memref<!tpu.dma_semaphore, #tpu.memory_space<semaphore_mem>>) src(%dma_wait3A_123 : memref<80x128xf32, #tpu.memory_space<hbm>>) dst(%arg11 : memref<80x128xf32, #tpu.memory_space<vmem>>)
    %dma_start3A_124 = arith.constant 0 : i32
    %dma_start3A_125 = arith.constant 0 : i32
    %dma_start3A_126 = tpu.memref_slice %arg7[%dma_start3A_124, %dma_start3A_125] : memref<10240x128xf32, #tpu.memory_space<vmem_shared>> -> memref<10240x128xf32, #tpu.memory_space<vmem_shared>>
    tpu.enqueue_indirect_dma source(%arg11 : memref<80x128xf32, #tpu.memory_space<vmem>>) target(%dma_start3A_126 : memref<10240x128xf32, #tpu.memory_space<vmem_shared>>) offsets(%arg9 : memref<80xi32, #tpu.memory_space<vmem>>) semaphore(%arg21 : memref<!tpu.dma_semaphore, #tpu.memory_space<semaphore_mem>>) {add = true}
    %get3A_127 = arith.constant 0 : index
    %get3A_128 = tpu.vector_load %arg9[%get3A_127] {strides = array<i32>} : memref<80xi32, #tpu.memory_space<vmem>>, vector<16xi32>,
    tpu.vector_store_idx %arg14[%get3A_128], %broadcast_in_dim3A_3 {add = true} : memref<10240xf32, #tpu.memory_space<vmem>>[vector<16xi32>], vector<16xf32>,
    %get3A_129 = arith.constant 16 : index
    %get3A_130 = tpu.vector_load %arg9[%get3A_129] {strides = array<i32>} : memref<80xi32, #tpu.memory_space<vmem>>, vector<16xi32>,
    tpu.vector_store_idx %arg14[%get3A_130], %broadcast_in_dim3A_3 {add = true} : memref<10240xf32, #tpu.memory_space<vmem>>[vector<16xi32>], vector<16xf32>,
    %get3A_131 = arith.constant 32 : index
    %get3A_132 = tpu.vector_load %arg9[%get3A_131] {strides = array<i32>} : memref<80xi32, #tpu.memory_space<vmem>>, vector<16xi32>,
    tpu.vector_store_idx %arg14[%get3A_132], %broadcast_in_dim3A_3 {add = true} : memref<10240xf32, #tpu.memory_space<vmem>>[vector<16xi32>], vector<16xf32>,
    %get3A_133 = arith.constant 48 : index
    %get3A_134 = tpu.vector_load %arg9[%get3A_133] {strides = array<i32>} : memref<80xi32, #tpu.memory_space<vmem>>, vector<16xi32>,
    tpu.vector_store_idx %arg14[%get3A_134], %broadcast_in_dim3A_3 {add = true} : memref<10240xf32, #tpu.memory_space<vmem>>[vector<16xi32>], vector<16xf32>,
    %get3A_135 = arith.constant 64 : index
    %get3A_136 = tpu.vector_load %arg9[%get3A_135] {strides = array<i32>} : memref<80xi32, #tpu.memory_space<vmem>>, vector<16xi32>,
    tpu.vector_store_idx %arg14[%get3A_136], %broadcast_in_dim3A_3 {add = true} : memref<10240xf32, #tpu.memory_space<vmem>>[vector<16xi32>], vector<16xf32>,
    %dma_wait3A_137 = arith.constant 0 : i32
    %dma_wait3A_138 = arith.constant 0 : i32
    %dma_wait3A_139 = tpu.memref_slice %arg7[%dma_wait3A_137, %dma_wait3A_138] : memref<10240x128xf32, #tpu.memory_space<vmem_shared>> -> memref<10240x128xf32, #tpu.memory_space<vmem_shared>>
    tpu.wait_indirect_dma semaphore(%arg21 : memref<!tpu.dma_semaphore, #tpu.memory_space<semaphore_mem>>) src(%arg11 : memref<80x128xf32, #tpu.memory_space<vmem>>) dst(%dma_wait3A_139 : memref<10240x128xf32, #tpu.memory_space<vmem_shared>>)
    %scan3A_140 = arith.constant 0 : i32
    %scan3A_141 = arith.constant 80 : i32
    %scan3A_142 = arith.addi %scan3A_140, %scan3A_141 : i32
    %scan3A_143 = arith.constant 1 : i32
    scf.for %scan3A_156 = %scan3A_140 to %scan3A_142 step %scan3A_143  : i32 {
      %mul3A_157 = arith.constant 1 : i32
      %mul3A_158 = arith.muli %scan3A_156, %mul3A_157 : i32
      %add3A_159 = arith.constant 0 : i32
      %add3A_160 = arith.addi %add3A_159, %mul3A_158 : i32
      %mul3A_161 = arith.constant 128 : i32
      %mul3A_162 = arith.muli %add3A_160, %mul3A_161 : i32
      %add3A_163 = arith.constant 0 : i32
      %add3A_164 = arith.addi %mul3A_162, %add3A_163 : i32
      %get3A_165 = arith.index_cast %add3A_164 : i32 to index
      %get3A_166 = tpu.vector_load %arg14[%get3A_165] {strides = array<i32>} : memref<10240xf32, #tpu.memory_space<vmem>>, vector<16xf32>,
      %swap3A = arith.index_cast %add3A_160 : i32 to index
      %swap3A_167 = arith.constant 0 : index
      %swap3A_168 = tpu.vector_load %arg15[%swap3A, %swap3A_167] {strides = array<i32>} : memref<80x128xf32, #tpu.memory_space<vmem>>, vector<16xf32>,
      tpu.vector_store %arg15[%swap3A, %swap3A_167], %get3A_166 {strides = array<i32>} : memref<80x128xf32, #tpu.memory_space<vmem>>, vector<16xf32>,
      %mul3A_169 = arith.constant 128 : i32
      %mul3A_170 = arith.muli %add3A_160, %mul3A_169 : i32
      %add3A_171 = arith.constant 16 : i32
      %add3A_172 = arith.addi %mul3A_170, %add3A_171 : i32
      %get3A_173 = arith.index_cast %add3A_172 : i32 to index
      %get3A_174 = tpu.vector_load %arg14[%get3A_173] {strides = array<i32>} : memref<10240xf32, #tpu.memory_space<vmem>>, vector<16xf32>,
      %swap3A_175 = arith.index_cast %add3A_160 : i32 to index
      %swap3A_176 = arith.constant 16 : index
      %swap3A_177 = tpu.vector_load %arg15[%swap3A_175, %swap3A_176] {strides = array<i32>} : memref<80x128xf32, #tpu.memory_space<vmem>>, vector<16xf32>,
      tpu.vector_store %arg15[%swap3A_175, %swap3A_176], %get3A_174 {strides = array<i32>} : memref<80x128xf32, #tpu.memory_space<vmem>>, vector<16xf32>,
      %mul3A_178 = arith.constant 128 : i32
      %mul3A_179 = arith.muli %add3A_160, %mul3A_178 : i32
      %add3A_180 = arith.constant 32 : i32
      %add3A_181 = arith.addi %mul3A_179, %add3A_180 : i32
      %get3A_182 = arith.index_cast %add3A_181 : i32 to index
      %get3A_183 = tpu.vector_load %arg14[%get3A_182] {strides = array<i32>} : memref<10240xf32, #tpu.memory_space<vmem>>, vector<16xf32>,
      %swap3A_184 = arith.index_cast %add3A_160 : i32 to index
      %swap3A_185 = arith.constant 32 : index
      %swap3A_186 = tpu.vector_load %arg15[%swap3A_184, %swap3A_185] {strides = array<i32>} : memref<80x128xf32, #tpu.memory_space<vmem>>, vector<16xf32>,
      tpu.vector_store %arg15[%swap3A_184, %swap3A_185], %get3A_183 {strides = array<i32>} : memref<80x128xf32, #tpu.memory_space<vmem>>, vector<16xf32>,
      %mul3A_187 = arith.constant 128 : i32
      %mul3A_188 = arith.muli %add3A_160, %mul3A_187 : i32
      %add3A_189 = arith.constant 48 : i32
      %add3A_190 = arith.addi %mul3A_188, %add3A_189 : i32
      %get3A_191 = arith.index_cast %add3A_190 : i32 to index
      %get3A_192 = tpu.vector_load %arg14[%get3A_191] {strides = array<i32>} : memref<10240xf32, #tpu.memory_space<vmem>>, vector<16xf32>,
      %swap3A_193 = arith.index_cast %add3A_160 : i32 to index
      %swap3A_194 = arith.constant 48 : index
      %swap3A_195 = tpu.vector_load %arg15[%swap3A_193, %swap3A_194] {strides = array<i32>} : memref<80x128xf32, #tpu.memory_space<vmem>>, vector<16xf32>,
      tpu.vector_store %arg15[%swap3A_193, %swap3A_194], %get3A_192 {strides = array<i32>} : memref<80x128xf32, #tpu.memory_space<vmem>>, vector<16xf32>,
      %mul3A_196 = arith.constant 128 : i32
      %mul3A_197 = arith.muli %add3A_160, %mul3A_196 : i32
      %add3A_198 = arith.constant 64 : i32
      %add3A_199 = arith.addi %mul3A_197, %add3A_198 : i32
      %get3A_200 = arith.index_cast %add3A_199 : i32 to index
      %get3A_201 = tpu.vector_load %arg14[%get3A_200] {strides = array<i32>} : memref<10240xf32, #tpu.memory_space<vmem>>, vector<16xf32>,
      %swap3A_202 = arith.index_cast %add3A_160 : i32 to index
      %swap3A_203 = arith.constant 64 : index
      %swap3A_204 = tpu.vector_load %arg15[%swap3A_202, %swap3A_203] {strides = array<i32>} : memref<80x128xf32, #tpu.memory_space<vmem>>, vector<16xf32>,
      tpu.vector_store %arg15[%swap3A_202, %swap3A_203], %get3A_201 {strides = array<i32>} : memref<80x128xf32, #tpu.memory_space<vmem>>, vector<16xf32>,
      %mul3A_205 = arith.constant 128 : i32
      %mul3A_206 = arith.muli %add3A_160, %mul3A_205 : i32
      %add3A_207 = arith.constant 80 : i32
      %add3A_208 = arith.addi %mul3A_206, %add3A_207 : i32
      %get3A_209 = arith.index_cast %add3A_208 : i32 to index
      %get3A_210 = tpu.vector_load %arg14[%get3A_209] {strides = array<i32>} : memref<10240xf32, #tpu.memory_space<vmem>>, vector<16xf32>,
      %swap3A_211 = arith.index_cast %add3A_160 : i32 to index
      %swap3A_212 = arith.constant 80 : index
      %swap3A_213 = tpu.vector_load %arg15[%swap3A_211, %swap3A_212] {strides = array<i32>} : memref<80x128xf32, #tpu.memory_space<vmem>>, vector<16xf32>,
      tpu.vector_store %arg15[%swap3A_211, %swap3A_212], %get3A_210 {strides = array<i32>} : memref<80x128xf32, #tpu.memory_space<vmem>>, vector<16xf32>,
      %mul3A_214 = arith.constant 128 : i32
      %mul3A_215 = arith.muli %add3A_160, %mul3A_214 : i32
      %add3A_216 = arith.constant 96 : i32
      %add3A_217 = arith.addi %mul3A_215, %add3A_216 : i32
      %get3A_218 = arith.index_cast %add3A_217 : i32 to index
      %get3A_219 = tpu.vector_load %arg14[%get3A_218] {strides = array<i32>} : memref<10240xf32, #tpu.memory_space<vmem>>, vector<16xf32>,
      %swap3A_220 = arith.index_cast %add3A_160 : i32 to index
      %swap3A_221 = arith.constant 96 : index
      %swap3A_222 = tpu.vector_load %arg15[%swap3A_220, %swap3A_221] {strides = array<i32>} : memref<80x128xf32, #tpu.memory_space<vmem>>, vector<16xf32>,
      tpu.vector_store %arg15[%swap3A_220, %swap3A_221], %get3A_219 {strides = array<i32>} : memref<80x128xf32, #tpu.memory_space<vmem>>, vector<16xf32>,
      %mul3A_223 = arith.constant 128 : i32
      %mul3A_224 = arith.muli %add3A_160, %mul3A_223 : i32
      %add3A_225 = arith.constant 112 : i32
      %add3A_226 = arith.addi %mul3A_224, %add3A_225 : i32
      %get3A_227 = arith.index_cast %add3A_226 : i32 to index
      %get3A_228 = tpu.vector_load %arg14[%get3A_227] {strides = array<i32>} : memref<10240xf32, #tpu.memory_space<vmem>>, vector<16xf32>,
      %swap3A_229 = arith.index_cast %add3A_160 : i32 to index
      %swap3A_230 = arith.constant 112 : index
      %swap3A_231 = tpu.vector_load %arg15[%swap3A_229, %swap3A_230] {strides = array<i32>} : memref<80x128xf32, #tpu.memory_space<vmem>>, vector<16xf32>,
      tpu.vector_store %arg15[%swap3A_229, %swap3A_230], %get3A_228 {strides = array<i32>} : memref<80x128xf32, #tpu.memory_space<vmem>>, vector<16xf32>,
    }
    %scan3A_144 = arith.constant 80 : i32
    "tpu.region"() ({
      %run_scoped3A = tpu.sem_alloc : memref<!tpu.dma_semaphore, #tpu.memory_space<semaphore_mem>>
      %dma_start3A_156 = arith.constant 0 : i32
      %dma_start3A_157 = tpu.memref_slice %arg4[%dma_start3A_156] : memref<10240xi32, #tpu.memory_space<hbm>> -> memref<80xi32, #tpu.memory_space<hbm>>
      %dma_start3A_158 = arith.constant 0 : i32
      %dma_start3A_159 = tpu.memref_slice %arg4[%dma_start3A_158] : memref<10240xi32, #tpu.memory_space<hbm>> -> memref<80xi32, #tpu.memory_space<hbm>>
      tpu.enqueue_dma source(%dma_start3A_159 : memref<80xi32, #tpu.memory_space<hbm>>) target(%arg13 : memref<80xi32, #tpu.memory_space<vmem>>) target_semaphore(%run_scoped3A : memref<!tpu.dma_semaphore, #tpu.memory_space<semaphore_mem>>)
      %dma_wait3A_160 = arith.constant 0 : i32
      %dma_wait3A_161 = tpu.memref_slice %arg4[%dma_wait3A_160] : memref<10240xi32, #tpu.memory_space<hbm>> -> memref<80xi32, #tpu.memory_space<hbm>>
      %dma_wait3A_162 = arith.constant 0 : i32
      %dma_wait3A_163 = tpu.memref_slice %arg4[%dma_wait3A_162] : memref<10240xi32, #tpu.memory_space<hbm>> -> memref<80xi32, #tpu.memory_space<hbm>>
      tpu.wait_dma2 semaphore(%run_scoped3A : memref<!tpu.dma_semaphore, #tpu.memory_space<semaphore_mem>>) src(%dma_wait3A_163 : memref<80xi32, #tpu.memory_space<hbm>>) dst(%arg13 : memref<80xi32, #tpu.memory_space<vmem>>)
      tpu.yield
    }) : () -> ()
    "tpu.region"() ({
      %run_scoped3A = tpu.sem_alloc : memref<!tpu.dma_semaphore, #tpu.memory_space<semaphore_mem>>
      %dma_start3A_156 = arith.constant 0 : i32
      %dma_start3A_157 = arith.constant 0 : i32
      %dma_start3A_158 = tpu.memref_slice %arg8[%dma_start3A_156, %dma_start3A_157] : memref<80x128xf32, #tpu.memory_space<vmem_shared>> -> memref<80x128xf32, #tpu.memory_space<vmem_shared>>
      tpu.enqueue_indirect_dma source(%arg15 : memref<80x128xf32, #tpu.memory_space<vmem>>) target(%dma_start3A_158 : memref<80x128xf32, #tpu.memory_space<vmem_shared>>) offsets(%arg13 : memref<80xi32, #tpu.memory_space<vmem>>) semaphore(%run_scoped3A : memref<!tpu.dma_semaphore, #tpu.memory_space<semaphore_mem>>) {add = true}
      %dma_wait3A_159 = arith.constant 0 : i32
      %dma_wait3A_160 = arith.constant 0 : i32
      %dma_wait3A_161 = tpu.memref_slice %arg8[%dma_wait3A_159, %dma_wait3A_160] : memref<80x128xf32, #tpu.memory_space<vmem_shared>> -> memref<80x128xf32, #tpu.memory_space<vmem_shared>>
      tpu.wait_indirect_dma semaphore(%run_scoped3A : memref<!tpu.dma_semaphore, #tpu.memory_space<semaphore_mem>>) src(%arg15 : memref<80x128xf32, #tpu.memory_space<vmem>>) dst(%dma_wait3A_161 : memref<80x128xf32, #tpu.memory_space<vmem_shared>>)
      tpu.yield
    }) : () -> ()
    %barrier3A_145 = arith.constant 0 : index
    tpu.barrier barrier_id(%barrier3A_145)
    %scan3A_146 = arith.constant 0 : i32
    %scan3A_147 = arith.constant 8 : i32
    %scan3A_148 = arith.addi %scan3A_146, %scan3A_147 : i32
    %scan3A_149 = arith.constant 1 : i32
    scf.for %scan3A_156 = %scan3A_146 to %scan3A_148 step %scan3A_149  : i32 {
      %mul3A_157 = arith.constant 1 : i32
      %mul3A_158 = arith.muli %scan3A_156, %mul3A_157 : i32
      %add3A_159 = arith.constant 0 : i32
      %add3A_160 = arith.addi %add3A_159, %mul3A_158 : i32
      %mul3A_161 = arith.constant 640 : i32
      %mul3A_162 = arith.muli %arg1, %mul3A_161 : i32
      %mul3A_163 = arith.constant 80 : i32
      %mul3A_164 = arith.muli %add3A_160, %mul3A_163 : i32
      %add3A_165 = arith.addi %mul3A_162, %mul3A_164 : i32
      "tpu.region"() ({
        %run_scoped3A = tpu.sem_alloc : memref<!tpu.dma_semaphore, #tpu.memory_space<semaphore_mem>>
        %dma_start3A_169 = tpu.memref_slice %arg4[%add3A_165] : memref<10240xi32, #tpu.memory_space<hbm>> -> memref<80xi32, #tpu.memory_space<hbm>>
        %dma_start3A_170 = tpu.memref_slice %arg4[%add3A_165] : memref<10240xi32, #tpu.memory_space<hbm>> -> memref<80xi32, #tpu.memory_space<hbm>>
        tpu.enqueue_dma source(%dma_start3A_170 : memref<80xi32, #tpu.memory_space<hbm>>) target(%arg13 : memref<80xi32, #tpu.memory_space<vmem>>) target_semaphore(%run_scoped3A : memref<!tpu.dma_semaphore, #tpu.memory_space<semaphore_mem>>)
        %dma_wait3A_171 = tpu.memref_slice %arg4[%add3A_165] : memref<10240xi32, #tpu.memory_space<hbm>> -> memref<80xi32, #tpu.memory_space<hbm>>
        %dma_wait3A_172 = tpu.memref_slice %arg4[%add3A_165] : memref<10240xi32, #tpu.memory_space<hbm>> -> memref<80xi32, #tpu.memory_space<hbm>>
        tpu.wait_dma2 semaphore(%run_scoped3A : memref<!tpu.dma_semaphore, #tpu.memory_space<semaphore_mem>>) src(%dma_wait3A_172 : memref<80xi32, #tpu.memory_space<hbm>>) dst(%arg13 : memref<80xi32, #tpu.memory_space<vmem>>)
        tpu.yield
      }) : () -> ()
      "tpu.region"() ({
        %run_scoped3A = tpu.sem_alloc : memref<!tpu.dma_semaphore, #tpu.memory_space<semaphore_mem>>
        %dma_start3A_169 = arith.constant 0 : i32
        %dma_start3A_170 = arith.constant 0 : i32
        %dma_start3A_171 = tpu.memref_slice %arg7[%dma_start3A_169, %dma_start3A_170] : memref<10240x128xf32, #tpu.memory_space<vmem_shared>> -> memref<10240x128xf32, #tpu.memory_space<vmem_shared>>
        tpu.enqueue_indirect_dma source(%dma_start3A_171 : memref<10240x128xf32, #tpu.memory_space<vmem_shared>>) target(%arg11 : memref<80x128xf32, #tpu.memory_space<vmem>>) offsets(%arg13 : memref<80xi32, #tpu.memory_space<vmem>>) semaphore(%run_scoped3A : memref<!tpu.dma_semaphore, #tpu.memory_space<semaphore_mem>>)
        %dma_wait3A_172 = arith.constant 0 : i32
        %dma_wait3A_173 = arith.constant 0 : i32
        %dma_wait3A_174 = tpu.memref_slice %arg7[%dma_wait3A_172, %dma_wait3A_173] : memref<10240x128xf32, #tpu.memory_space<vmem_shared>> -> memref<10240x128xf32, #tpu.memory_space<vmem_shared>>
        tpu.wait_indirect_dma semaphore(%run_scoped3A : memref<!tpu.dma_semaphore, #tpu.memory_space<semaphore_mem>>) src(%dma_wait3A_174 : memref<10240x128xf32, #tpu.memory_space<vmem_shared>>) dst(%arg11 : memref<80x128xf32, #tpu.memory_space<vmem>>)
        tpu.yield
      }) : () -> ()
      %mul3A_166 = arith.constant 10240 : i32
      %mul3A_167 = arith.muli %arg0, %mul3A_166 : i32
      %add3A_168 = arith.addi %mul3A_167, %add3A_165 : i32
      "tpu.region"() ({
        %run_scoped3A = tpu.sem_alloc : memref<!tpu.dma_semaphore, #tpu.memory_space<semaphore_mem>>
        %dma_start3A_169 = arith.constant 0 : i32
        %dma_start3A_170 = tpu.memref_slice %arg5[%add3A_168, %dma_start3A_169] : memref<20480x128xf32, #tpu.memory_space<hbm>> -> memref<80x128xf32, #tpu.memory_space<hbm>>
        %dma_start3A_171 = arith.constant 0 : i32
        %dma_start3A_172 = tpu.memref_slice %arg5[%add3A_168, %dma_start3A_171] : memref<20480x128xf32, #tpu.memory_space<hbm>> -> memref<80x128xf32, #tpu.memory_space<hbm>>
        tpu.enqueue_dma source(%arg11 : memref<80x128xf32, #tpu.memory_space<vmem>>) target(%dma_start3A_172 : memref<80x128xf32, #tpu.memory_space<hbm>>) target_semaphore(%run_scoped3A : memref<!tpu.dma_semaphore, #tpu.memory_space<semaphore_mem>>)
        %dma_wait3A_173 = arith.constant 0 : i32
        %dma_wait3A_174 = tpu.memref_slice %arg5[%add3A_168, %dma_wait3A_173] : memref<20480x128xf32, #tpu.memory_space<hbm>> -> memref<80x128xf32, #tpu.memory_space<hbm>>
        %dma_wait3A_175 = arith.constant 0 : i32
        %dma_wait3A_176 = tpu.memref_slice %arg5[%add3A_168, %dma_wait3A_175] : memref<20480x128xf32, #tpu.memory_space<hbm>> -> memref<80x128xf32, #tpu.memory_space<hbm>>
        tpu.wait_dma2 semaphore(%run_scoped3A : memref<!tpu.dma_semaphore, #tpu.memory_space<semaphore_mem>>) src(%arg11 : memref<80x128xf32, #tpu.memory_space<vmem>>) dst(%dma_wait3A_176 : memref<80x128xf32, #tpu.memory_space<hbm>>)
        tpu.yield
      }) : () -> ()
    }
    %scan3A_150 = arith.constant 8 : i32
    %eq3A_151 = arith.constant 0 : i32
    %eq3A_152 = arith.cmpi eq, %arg1, %eq3A_151 : i32
    %convert_element_type3A_153 = arith.extui %eq3A_152 : i1 to i32
    %cond3A_154 = arith.constant 0 : i32
    %cond3A_155 = arith.cmpi ne, %convert_element_type3A_153, %cond3A_154 : i32
    scf.if %cond3A_155 {
      "tpu.region"() ({
        %run_scoped3A = tpu.sem_alloc : memref<!tpu.dma_semaphore, #tpu.memory_space<semaphore_mem>>
        %dma_start3A_158 = arith.constant 0 : i32
        %dma_start3A_159 = tpu.memref_slice %arg4[%dma_start3A_158] : memref<10240xi32, #tpu.memory_space<hbm>> -> memref<80xi32, #tpu.memory_space<hbm>>
        %dma_start3A_160 = arith.constant 0 : i32
        %dma_start3A_161 = tpu.memref_slice %arg4[%dma_start3A_160] : memref<10240xi32, #tpu.memory_space<hbm>> -> memref<80xi32, #tpu.memory_space<hbm>>
        tpu.enqueue_dma source(%dma_start3A_161 : memref<80xi32, #tpu.memory_space<hbm>>) target(%arg13 : memref<80xi32, #tpu.memory_space<vmem>>) target_semaphore(%run_scoped3A : memref<!tpu.dma_semaphore, #tpu.memory_space<semaphore_mem>>)
        %dma_wait3A_162 = arith.constant 0 : i32
        %dma_wait3A_163 = tpu.memref_slice %arg4[%dma_wait3A_162] : memref<10240xi32, #tpu.memory_space<hbm>> -> memref<80xi32, #tpu.memory_space<hbm>>
        %dma_wait3A_164 = arith.constant 0 : i32
        %dma_wait3A_165 = tpu.memref_slice %arg4[%dma_wait3A_164] : memref<10240xi32, #tpu.memory_space<hbm>> -> memref<80xi32, #tpu.memory_space<hbm>>
        tpu.wait_dma2 semaphore(%run_scoped3A : memref<!tpu.dma_semaphore, #tpu.memory_space<semaphore_mem>>) src(%dma_wait3A_165 : memref<80xi32, #tpu.memory_space<hbm>>) dst(%arg13 : memref<80xi32, #tpu.memory_space<vmem>>)
        tpu.yield
      }) : () -> ()
      "tpu.region"() ({
        %run_scoped3A = tpu.sem_alloc : memref<!tpu.dma_semaphore, #tpu.memory_space<semaphore_mem>>
        %dma_start3A_158 = arith.constant 0 : i32
        %dma_start3A_159 = arith.constant 0 : i32
        %dma_start3A_160 = tpu.memref_slice %arg8[%dma_start3A_158, %dma_start3A_159] : memref<80x128xf32, #tpu.memory_space<vmem_shared>> -> memref<80x128xf32, #tpu.memory_space<vmem_shared>>
        tpu.enqueue_indirect_dma source(%dma_start3A_160 : memref<80x128xf32, #tpu.memory_space<vmem_shared>>) target(%arg15 : memref<80x128xf32, #tpu.memory_space<vmem>>) offsets(%arg13 : memref<80xi32, #tpu.memory_space<vmem>>) semaphore(%run_scoped3A : memref<!tpu.dma_semaphore, #tpu.memory_space<semaphore_mem>>)
        %dma_wait3A_161 = arith.constant 0 : i32
        %dma_wait3A_162 = arith.constant 0 : i32
        %dma_wait3A_163 = tpu.memref_slice %arg8[%dma_wait3A_161, %dma_wait3A_162] : memref<80x128xf32, #tpu.memory_space<vmem_shared>> -> memref<80x128xf32, #tpu.memory_space<vmem_shared>>
        tpu.wait_indirect_dma semaphore(%run_scoped3A : memref<!tpu.dma_semaphore, #tpu.memory_space<semaphore_mem>>) src(%dma_wait3A_163 : memref<80x128xf32, #tpu.memory_space<vmem_shared>>) dst(%arg15 : memref<80x128xf32, #tpu.memory_space<vmem>>)
        tpu.yield
      }) : () -> ()
      %mul3A_156 = arith.constant 80 : i32
      %mul3A_157 = arith.muli %arg0, %mul3A_156 : i32
      "tpu.region"() ({
        %run_scoped3A = tpu.sem_alloc : memref<!tpu.dma_semaphore, #tpu.memory_space<semaphore_mem>>
        %dma_start3A_158 = arith.constant 0 : i32
        %dma_start3A_159 = tpu.memref_slice %arg6[%mul3A_157, %dma_start3A_158] : memref<160x128xf32, #tpu.memory_space<hbm>> -> memref<80x128xf32, #tpu.memory_space<hbm>>
        %dma_start3A_160 = arith.constant 0 : i32
        %dma_start3A_161 = tpu.memref_slice %arg6[%mul3A_157, %dma_start3A_160] : memref<160x128xf32, #tpu.memory_space<hbm>> -> memref<80x128xf32, #tpu.memory_space<hbm>>
        tpu.enqueue_dma source(%arg15 : memref<80x128xf32, #tpu.memory_space<vmem>>) target(%dma_start3A_161 : memref<80x128xf32, #tpu.memory_space<hbm>>) target_semaphore(%run_scoped3A : memref<!tpu.dma_semaphore, #tpu.memory_space<semaphore_mem>>)
        %dma_wait3A_162 = arith.constant 0 : i32
        %dma_wait3A_163 = tpu.memref_slice %arg6[%mul3A_157, %dma_wait3A_162] : memref<160x128xf32, #tpu.memory_space<hbm>> -> memref<80x128xf32, #tpu.memory_space<hbm>>
        %dma_wait3A_164 = arith.constant 0 : i32
        %dma_wait3A_165 = tpu.memref_slice %arg6[%mul3A_157, %dma_wait3A_164] : memref<160x128xf32, #tpu.memory_space<hbm>> -> memref<80x128xf32, #tpu.memory_space<hbm>>
        tpu.wait_dma2 semaphore(%run_scoped3A : memref<!tpu.dma_semaphore, #tpu.memory_space<semaphore_mem>>) src(%arg15 : memref<80x128xf32, #tpu.memory_space<vmem>>) dst(%dma_wait3A_165 : memref<80x128xf32, #tpu.memory_space<hbm>>)
        tpu.yield
      }) : () -> ()
    } else {
    }
    return
  }
}

module attributes {stable_mosaic.version = 14 : i64} {
  func.func @body(%arg0: i32, %arg1: memref<2000x128xf32, #tpu.memory_space<vmem>>, %arg2: memref<128x128xf32, #tpu.memory_space<vmem>>, %arg3: memref<2000x128xf32, #tpu.memory_space<vmem>>) attributes {dimension_semantics = [#tpu.dimension_semantics<arbitrary>], iteration_bounds = array<i64: 5>, scalar_prefetch = 0 : i64, scratch_operands = 0 : i64, tpu.core_type = #tpu.core_type<tc>, window_params = [{transform_indices = @transform_0, window_bounds = array<i64: 2000, 128>}, {pipeline_mode = #tpu.pipeline_mode<synchronous>, transform_indices = @transform_1, window_bounds = array<i64: 128, 128>}, {transform_indices = @transform_2, window_bounds = array<i64: 2000, 128>}]} {
    %get3A = arith.constant 0 : index
    %get3A_0 = arith.constant 0 : index
    %get3A_1 = vector.load %arg1[%get3A, %get3A_0] : memref<2000x128xf32, #tpu.memory_space<vmem>>, vector<2000x128xf32>
    %convert_element_type3A = arith.truncf %get3A_1 : vector<2000x128xf32> to vector<2000x128xbf16>
    %get3A_2 = arith.constant 0 : index
    %get3A_3 = arith.constant 0 : index
    %get3A_4 = vector.load %arg2[%get3A_2, %get3A_3] : memref<128x128xf32, #tpu.memory_space<vmem>>, vector<128x128xf32>
    %convert_element_type3A_5 = arith.truncf %get3A_4 : vector<128x128xf32> to vector<128x128xbf16>
    %dot_general3A = arith.constant dense<0.000000e+00> : vector<2000x128xf32>
    %dot_general3A_6 = tpu.matmul %convert_element_type3A, %convert_element_type3A_5, %dot_general3A {dimension_numbers = #tpu.dot_dimension_numbers<[1], [0], [0], [1], [0, 0, 1, 1], [], []>, transpose_lhs_hint = false} : vector<2000x128xbf16>, vector<128x128xbf16>, vector<2000x128xf32> -> vector<2000x128xf32>
    %swap3A = arith.constant 0 : index
    %swap3A_7 = arith.constant 0 : index
    %swap3A_8 = vector.load %arg3[%swap3A, %swap3A_7] : memref<2000x128xf32, #tpu.memory_space<vmem>>, vector<2000x128xf32>
    tpu.vector_store %arg3[%swap3A, %swap3A_7], %dot_general3A_6 {strides = array<i32>} : memref<2000x128xf32, #tpu.memory_space<vmem>>, vector<2000x128xf32>,
    return
  }
  func.func @transform_0(%arg0: i32) -> (i32, i32) {
    %c0_i32 = arith.constant 0 : i32
    %c0_i32_0 = arith.constant 0 : i32
    return %arg0, %c0_i32 : i32, i32
  }
  func.func @transform_1(%arg0: i32) -> (i32, i32) {
    %c0_i32 = arith.constant 0 : i32
    %c0_i32_0 = arith.constant 0 : i32
    %c0_i32_1 = arith.constant 0 : i32
    return %c0_i32, %c0_i32_0 : i32, i32
  }
  func.func @transform_2(%arg0: i32) -> (i32, i32) {
    %c0_i32 = arith.constant 0 : i32
    %c0_i32_0 = arith.constant 0 : i32
    return %arg0, %c0_i32 : i32, i32
  }
}

module attributes {stable_mosaic.version = 14 : i64} {
  func.func @body(%arg0: i32, %arg1: memref<2560x128xf32, #tpu.memory_space<vmem>>, %arg2: memref<16x2560xf32, #tpu.memory_space<vmem>>, %arg3: memref<16x128xf32, #tpu.memory_space<vmem>>, %arg4: memref<1x128xf32, #tpu.memory_space<vmem>>, %arg5: memref<128x128xf32, #tpu.memory_space<vmem>>, %arg6: memref<1x128xf32, #tpu.memory_space<vmem>>, %arg7: memref<2560x128xf32, #tpu.memory_space<vmem>>) attributes {dimension_semantics = [#tpu.dimension_semantics<arbitrary>], iteration_bounds = array<i64: 125>, scalar_prefetch = 0 : i64, scratch_operands = 0 : i64, tpu.core_type = #tpu.core_type<tc>, window_params = [{transform_indices = @transform_0, window_bounds = array<i64: 2560, 128>}, {transform_indices = @transform_1, window_bounds = array<i64: 16, 2560>}, {pipeline_mode = #tpu.pipeline_mode<synchronous>, transform_indices = @transform_2, window_bounds = array<i64: 16, 128>}, {pipeline_mode = #tpu.pipeline_mode<synchronous>, transform_indices = @transform_3, window_bounds = array<i64: 1, 128>}, {pipeline_mode = #tpu.pipeline_mode<synchronous>, transform_indices = @transform_4, window_bounds = array<i64: 128, 128>}, {pipeline_mode = #tpu.pipeline_mode<synchronous>, transform_indices = @transform_5, window_bounds = array<i64: 1, 128>}, {transform_indices = @transform_6, window_bounds = array<i64: 2560, 128>}]} {
    %get3A = arith.constant 0 : index
    %get3A_0 = arith.constant 0 : index
    %get3A_1 = vector.load %arg2[%get3A, %get3A_0] : memref<16x2560xf32, #tpu.memory_space<vmem>>, vector<16x2560xf32>
    %convert_element_type3A = arith.truncf %get3A_1 : vector<16x2560xf32> to vector<16x2560xbf16>
    %get3A_2 = arith.constant 0 : index
    %get3A_3 = arith.constant 0 : index
    %get3A_4 = vector.load %arg3[%get3A_2, %get3A_3] : memref<16x128xf32, #tpu.memory_space<vmem>>, vector<16x128xf32>
    %convert_element_type3A_5 = arith.truncf %get3A_4 : vector<16x128xf32> to vector<16x128xbf16>
    %dot_general3A = arith.constant dense<0.000000e+00> : vector<2560x128xf32>
    %dot_general3A_6 = tpu.matmul %convert_element_type3A, %convert_element_type3A_5, %dot_general3A {dimension_numbers = #tpu.dot_dimension_numbers<[0], [0], [1], [1], [0, 1, 1, 1], [], []>, transpose_lhs_hint = false} : vector<16x2560xbf16>, vector<16x128xbf16>, vector<2560x128xf32> -> vector<2560x128xf32>
    %get3A_7 = arith.constant 0 : index
    %get3A_8 = arith.constant 0 : index
    %get3A_9 = vector.load %arg1[%get3A_7, %get3A_8] : memref<2560x128xf32, #tpu.memory_space<vmem>>, vector<2560x128xf32>
    %add3A = arith.addf %get3A_9, %dot_general3A_6 : vector<2560x128xf32>
    %get3A_10 = arith.constant 0 : index
    %get3A_11 = arith.constant 0 : index
    %get3A_12 = vector.load %arg4[%get3A_10, %get3A_11] : memref<1x128xf32, #tpu.memory_space<vmem>>, vector<1x128xf32>
    %add3A_13 = vector.broadcast %get3A_12 : vector<1x128xf32> to vector<2560x128xf32>
    %add3A_14 = arith.addf %add3A, %add3A_13 : vector<2560x128xf32>
    %max3A = arith.constant 0.000000e+00 : f32
    %max3A_15 = vector.broadcast %max3A : f32 to vector<2560x128xf32>
    %max3A_16 = arith.maximumf %add3A_14, %max3A_15 : vector<2560x128xf32>
    %convert_element_type3A_17 = arith.truncf %max3A_16 : vector<2560x128xf32> to vector<2560x128xbf16>
    %get3A_18 = arith.constant 0 : index
    %get3A_19 = arith.constant 0 : index
    %get3A_20 = vector.load %arg5[%get3A_18, %get3A_19] : memref<128x128xf32, #tpu.memory_space<vmem>>, vector<128x128xf32>
    %convert_element_type3A_21 = arith.truncf %get3A_20 : vector<128x128xf32> to vector<128x128xbf16>
    %dot_general3A_22 = arith.constant dense<0.000000e+00> : vector<2560x128xf32>
    %dot_general3A_23 = tpu.matmul %convert_element_type3A_17, %convert_element_type3A_21, %dot_general3A_22 {dimension_numbers = #tpu.dot_dimension_numbers<[1], [0], [0], [1], [0, 0, 1, 1], [], []>, transpose_lhs_hint = false} : vector<2560x128xbf16>, vector<128x128xbf16>, vector<2560x128xf32> -> vector<2560x128xf32>
    %get3A_24 = arith.constant 0 : index
    %get3A_25 = arith.constant 0 : index
    %get3A_26 = vector.load %arg6[%get3A_24, %get3A_25] : memref<1x128xf32, #tpu.memory_space<vmem>>, vector<1x128xf32>
    %add3A_27 = vector.broadcast %get3A_26 : vector<1x128xf32> to vector<2560x128xf32>
    %add3A_28 = arith.addf %dot_general3A_23, %add3A_27 : vector<2560x128xf32>
    %swap3A = arith.constant 0 : index
    %swap3A_29 = arith.constant 0 : index
    %swap3A_30 = vector.load %arg7[%swap3A, %swap3A_29] : memref<2560x128xf32, #tpu.memory_space<vmem>>, vector<2560x128xf32>
    tpu.vector_store %arg7[%swap3A, %swap3A_29], %add3A_28 {strides = array<i32>} : memref<2560x128xf32, #tpu.memory_space<vmem>>, vector<2560x128xf32>,
    return
  }
  func.func @transform_0(%arg0: i32) -> (i32, i32) {
    %c0_i32 = arith.constant 0 : i32
    %c0_i32_0 = arith.constant 0 : i32
    return %arg0, %c0_i32 : i32, i32
  }
  func.func @transform_1(%arg0: i32) -> (i32, i32) {
    %c0_i32 = arith.constant 0 : i32
    %c0_i32_0 = arith.constant 0 : i32
    return %c0_i32, %arg0 : i32, i32
  }
  func.func @transform_2(%arg0: i32) -> (i32, i32) {
    %c0_i32 = arith.constant 0 : i32
    %c0_i32_0 = arith.constant 0 : i32
    %c0_i32_1 = arith.constant 0 : i32
    return %c0_i32, %c0_i32_0 : i32, i32
  }
  func.func @transform_3(%arg0: i32) -> (i32, i32) {
    %c0_i32 = arith.constant 0 : i32
    %c0_i32_0 = arith.constant 0 : i32
    %c0_i32_1 = arith.constant 0 : i32
    return %c0_i32, %c0_i32_0 : i32, i32
  }
  func.func @transform_4(%arg0: i32) -> (i32, i32) {
    %c0_i32 = arith.constant 0 : i32
    %c0_i32_0 = arith.constant 0 : i32
    %c0_i32_1 = arith.constant 0 : i32
    return %c0_i32, %c0_i32_0 : i32, i32
  }
  func.func @transform_5(%arg0: i32) -> (i32, i32) {
    %c0_i32 = arith.constant 0 : i32
    %c0_i32_0 = arith.constant 0 : i32
    %c0_i32_1 = arith.constant 0 : i32
    return %c0_i32, %c0_i32_0 : i32, i32
  }
  func.func @transform_6(%arg0: i32) -> (i32, i32) {
    %c0_i32 = arith.constant 0 : i32
    %c0_i32_0 = arith.constant 0 : i32
    return %arg0, %c0_i32 : i32, i32
  }
}

module attributes {stable_mosaic.version = 14 : i64} {
  func.func @body(%arg0: i32, %arg1: memref<2000x128xf32, #tpu.memory_space<vmem>>, %arg2: memref<2x2000x128xf32, #tpu.memory_space<vmem>>, %arg3: memref<2x2000x1xf32, #tpu.memory_space<vmem>>, %arg4: memref<1x128xf32, #tpu.memory_space<vmem>>, %arg5: memref<1x128xf32, #tpu.memory_space<vmem>>, %arg6: memref<2000x128xf32, #tpu.memory_space<vmem>>) attributes {dimension_semantics = [#tpu.dimension_semantics<arbitrary>], iteration_bounds = array<i64: 5>, scalar_prefetch = 0 : i64, scratch_operands = 0 : i64, tpu.core_type = #tpu.core_type<tc>, window_params = [{transform_indices = @transform_0, window_bounds = array<i64: 2000, 128>}, {transform_indices = @transform_1, window_bounds = array<i64: 2, 2000, 128>}, {transform_indices = @transform_2, window_bounds = array<i64: 2, 2000, 1>}, {pipeline_mode = #tpu.pipeline_mode<synchronous>, transform_indices = @transform_3, window_bounds = array<i64: 1, 128>}, {pipeline_mode = #tpu.pipeline_mode<synchronous>, transform_indices = @transform_4, window_bounds = array<i64: 1, 128>}, {transform_indices = @transform_5, window_bounds = array<i64: 2000, 128>}]} {
    %get3A = arith.constant 0 : index
    %get3A_0 = arith.constant 0 : index
    %get3A_1 = arith.constant 0 : index
    %get3A_2 = vector.load %arg2[%get3A, %get3A_0, %get3A_1] : memref<2x2000x128xf32, #tpu.memory_space<vmem>>, vector<1x2000x128xf32>
    %get3A_3 = vector.shape_cast %get3A_2 : vector<1x2000x128xf32> to vector<2000x128xf32>
    %get3A_4 = arith.constant 1 : index
    %get3A_5 = arith.constant 0 : index
    %get3A_6 = arith.constant 0 : index
    %get3A_7 = vector.load %arg2[%get3A_4, %get3A_5, %get3A_6] : memref<2x2000x128xf32, #tpu.memory_space<vmem>>, vector<1x2000x128xf32>
    %get3A_8 = vector.shape_cast %get3A_7 : vector<1x2000x128xf32> to vector<2000x128xf32>
    %add3A = arith.addf %get3A_3, %get3A_8 : vector<2000x128xf32>
    %get3A_9 = arith.constant 0 : index
    %get3A_10 = arith.constant 0 : index
    %get3A_11 = arith.constant 0 : index
    %get3A_12 = vector.load %arg3[%get3A_9, %get3A_10, %get3A_11] : memref<2x2000x1xf32, #tpu.memory_space<vmem>>, vector<1x2000x1xf32>
    %get3A_13 = vector.shape_cast %get3A_12 : vector<1x2000x1xf32> to vector<2000x1xf32>
    %get3A_14 = arith.constant 1 : index
    %get3A_15 = arith.constant 0 : index
    %get3A_16 = arith.constant 0 : index
    %get3A_17 = vector.load %arg3[%get3A_14, %get3A_15, %get3A_16] : memref<2x2000x1xf32, #tpu.memory_space<vmem>>, vector<1x2000x1xf32>
    %get3A_18 = vector.shape_cast %get3A_17 : vector<1x2000x1xf32> to vector<2000x1xf32>
    %add3A_19 = arith.addf %get3A_13, %get3A_18 : vector<2000x1xf32>
    %add3A_20 = arith.constant 1.000000e+00 : f32
    %add3A_21 = vector.broadcast %add3A_20 : f32 to vector<2000x1xf32>
    %add3A_22 = arith.addf %add3A_19, %add3A_21 : vector<2000x1xf32>
    %get3A_23 = arith.constant 0 : index
    %get3A_24 = arith.constant 0 : index
    %get3A_25 = vector.load %arg1[%get3A_23, %get3A_24] : memref<2000x128xf32, #tpu.memory_space<vmem>>, vector<2000x128xf32>
    %div3A = vector.broadcast %add3A_22 : vector<2000x1xf32> to vector<2000x128xf32>
    %div3A_26 = arith.divf %add3A, %div3A : vector<2000x128xf32>
    %add3A_27 = arith.addf %get3A_25, %div3A_26 : vector<2000x128xf32>
    %reduce_sum3A = arith.constant dense<0.000000e+00> : vector<2000xf32>
    %reduce_sum3A_28 = vector.multi_reduction <add>, %add3A_27, %reduce_sum3A [1] : vector<2000x128xf32> to vector<2000xf32>
    %broadcast_in_dim3A = vector.shape_cast %reduce_sum3A_28 : vector<2000xf32> to vector<2000x1xf32>
    %div3A_29 = arith.constant 1.280000e+02 : f32
    %div3A_30 = vector.broadcast %div3A_29 : f32 to vector<2000x1xf32>
    %div3A_31 = arith.divf %broadcast_in_dim3A, %div3A_30 : vector<2000x1xf32>
    %sub3A = vector.broadcast %div3A_31 : vector<2000x1xf32> to vector<2000x128xf32>
    %sub3A_32 = arith.subf %add3A_27, %sub3A : vector<2000x128xf32>
    %integer_pow3A = arith.mulf %sub3A_32, %sub3A_32 : vector<2000x128xf32>
    %reduce_sum3A_33 = arith.constant dense<0.000000e+00> : vector<2000xf32>
    %reduce_sum3A_34 = vector.multi_reduction <add>, %integer_pow3A, %reduce_sum3A_33 [1] : vector<2000x128xf32> to vector<2000xf32>
    %broadcast_in_dim3A_35 = vector.shape_cast %reduce_sum3A_34 : vector<2000xf32> to vector<2000x1xf32>
    %div3A_36 = arith.constant 1.280000e+02 : f32
    %div3A_37 = vector.broadcast %div3A_36 : f32 to vector<2000x1xf32>
    %div3A_38 = arith.divf %broadcast_in_dim3A_35, %div3A_37 : vector<2000x1xf32>
    %sub3A_39 = vector.broadcast %div3A_31 : vector<2000x1xf32> to vector<2000x128xf32>
    %sub3A_40 = arith.subf %add3A_27, %sub3A_39 : vector<2000x128xf32>
    %add3A_41 = arith.constant 9.99999974E-6 : f32
    %add3A_42 = vector.broadcast %add3A_41 : f32 to vector<2000x1xf32>
    %add3A_43 = arith.addf %div3A_38, %add3A_42 : vector<2000x1xf32>
    %rsqrt3A = math.rsqrt %add3A_43 : vector<2000x1xf32>
    %mul3A = vector.broadcast %rsqrt3A : vector<2000x1xf32> to vector<2000x128xf32>
    %mul3A_44 = arith.mulf %sub3A_40, %mul3A : vector<2000x128xf32>
    %get3A_45 = arith.constant 0 : index
    %get3A_46 = arith.constant 0 : index
    %get3A_47 = vector.load %arg4[%get3A_45, %get3A_46] : memref<1x128xf32, #tpu.memory_space<vmem>>, vector<1x128xf32>
    %mul3A_48 = vector.broadcast %get3A_47 : vector<1x128xf32> to vector<2000x128xf32>
    %mul3A_49 = arith.mulf %mul3A_44, %mul3A_48 : vector<2000x128xf32>
    %get3A_50 = arith.constant 0 : index
    %get3A_51 = arith.constant 0 : index
    %get3A_52 = vector.load %arg5[%get3A_50, %get3A_51] : memref<1x128xf32, #tpu.memory_space<vmem>>, vector<1x128xf32>
    %add3A_53 = vector.broadcast %get3A_52 : vector<1x128xf32> to vector<2000x128xf32>
    %add3A_54 = arith.addf %mul3A_49, %add3A_53 : vector<2000x128xf32>
    %swap3A = arith.constant 0 : index
    %swap3A_55 = arith.constant 0 : index
    %swap3A_56 = vector.load %arg6[%swap3A, %swap3A_55] : memref<2000x128xf32, #tpu.memory_space<vmem>>, vector<2000x128xf32>
    tpu.vector_store %arg6[%swap3A, %swap3A_55], %add3A_54 {strides = array<i32>} : memref<2000x128xf32, #tpu.memory_space<vmem>>, vector<2000x128xf32>,
    return
  }
  func.func @transform_0(%arg0: i32) -> (i32, i32) {
    %c0_i32 = arith.constant 0 : i32
    %c0_i32_0 = arith.constant 0 : i32
    return %arg0, %c0_i32 : i32, i32
  }
  func.func @transform_1(%arg0: i32) -> (i32, i32, i32) {
    %c0_i32 = arith.constant 0 : i32
    %c0_i32_0 = arith.constant 0 : i32
    %c0_i32_1 = arith.constant 0 : i32
    return %c0_i32, %arg0, %c0_i32_0 : i32, i32, i32
  }
  func.func @transform_2(%arg0: i32) -> (i32, i32, i32) {
    %c0_i32 = arith.constant 0 : i32
    %c0_i32_0 = arith.constant 0 : i32
    %c0_i32_1 = arith.constant 0 : i32
    return %c0_i32, %arg0, %c0_i32_0 : i32, i32, i32
  }
  func.func @transform_3(%arg0: i32) -> (i32, i32) {
    %c0_i32 = arith.constant 0 : i32
    %c0_i32_0 = arith.constant 0 : i32
    %c0_i32_1 = arith.constant 0 : i32
    return %c0_i32, %c0_i32_0 : i32, i32
  }
  func.func @transform_4(%arg0: i32) -> (i32, i32) {
    %c0_i32 = arith.constant 0 : i32
    %c0_i32_0 = arith.constant 0 : i32
    %c0_i32_1 = arith.constant 0 : i32
    return %c0_i32, %c0_i32_0 : i32, i32
  }
  func.func @transform_5(%arg0: i32) -> (i32, i32) {
    %c0_i32 = arith.constant 0 : i32
    %c0_i32_0 = arith.constant 0 : i32
    return %arg0, %c0_i32 : i32, i32
  }
}

</mosaic_0001>

<sc_bundles>
// kernel: kernel.10.cloned.1.call-start
scs
__scs_entry_jumppad:
0x0: {  	(pc) =	sbr.rel $0x88, $3  }
0x1: {  	(tag) =	ssettag $0x0;
	lr =	simm.s32 $0x1  }
0x2: {  	[smem:$0x3F98] =	sst lr;
	_ =	strace $0xD0000000  }
0x3: {  	_ = 	snop  }
0x4: {  	_ = 	snop  }
0x5: {  	_ = 	snop  }
0x6: {  	_ = 	snop  }
0x7: {  	_ = 	snop  }
__scs_overlays_trampoline_lowered:
0x8: {  	[smem:$0x3FA7] =	sst s0  }
0x9: {  	[smem:$0x3FA8] =	sst s1  }
0xa: {  	[smem:$0x3FA9] =	sst s2  }
0xb: {  	[smem:$0x3FAA] =	sst s3  }
0xc: {  	[smem:$0x3FAB] =	sst s4  }
0xd: {  	[smem:$0x3FAC] =	sst s5  }
0xe: {  	[smem:$0x3FAD] =	sst s6  }
0xf: {  	[smem:$0x3FAE] =	sst s7  }
0x10: {  	[smem:$0x3FAF] =	sst s8  }
0x11: {  	[smem:$0x3FB0] =	sst s9;
	s0 =	simm.s32 @!p0 $0x0  }
0x12: {  	s1 =	sld [smem:$0x3F96];
	s0 =	simm.s32 @p0 $0x1  }
0x13: {  	[smem:$0x3FB1] =	sst s0;
	s0 =	simm.s32 @!p1 $0x0  }
0x14: {  	s2 =	sld [smem:$0x3F95];
	s0 =	simm.s32 @p1 $0x1  }
0x15: {  	[smem:$0x3FB2] =	sst s0;
	s0 =	simm.s32 @!p2 $0x0  }
0x16: {  	s3 =	sld [smem:$0x3FDB];
	s0 =	simm.s32 @p2 $0x1  }
0x17: {  	s4 =	simm.s32 $0x1BF5;
	[smem:$0x3FB4] =	sst s0  }
0x18: {  	s0 =	sld [smem:$0x3F97];
	_ =	swait.ge [sflag:s4], $0x0  }
0x19: {  	s7 =	sld [smem:$0x3F98]  }
0x1a: {  	s8 =	sadd.s32 $0xFFFFE003, lr  }
0x1b: {  	s9 =	sadd.s32 $0xFFFFFEF7, lr;
	s5 =	simm.s32 $0xFFFFFFFF;
	p2 =	slt.u32 s8, $0xFFFFF086  }
0x1c: {  	p1 =	slt.u32 s9, $0xF7A;
	s5 =	simm.s32 @!p2 $0x0  }
0x1d: {  	s5 =	simm.s32 @p1 $0x1;
	p0 =	seq.s32 s7, s2  }
0x1e: {  	s7 =	smul.u32 @!p0 $0xF7A, s2;
	p2 =	seq.s32 @!p0 s5, $0x0  }
0x1f: {  	s9 =	smul.u32 $0xF7A, s1;
	s8 =	simm.s32 @!p0 $0x1BF5;
	p2 =	por !p2, p0  }
0x20: {  	[sflag:s8] =	ssyncset.s32 @!p0 $0xFFFFF086;
	s6 =	sadd.s32 @!p0 s3, s7;
	s7 =	simm.s32 @!p0 $0x108  }
0x21: {  	s3 =	sadd.s32 s3, s9;
	s6 =	sadd.s32 @!p0 $0x88, s6;
	s7 =	simm.s32 @p2 $0x1082  }
0x22: {  	[simem:s7], [sflag:s8] =	dma.local @!p0 [hbm:s6], $0xF7A  }
0x23: {  	s9 =	sor.u32 $0xD0000000, s2;
	s6 =	simm.s32 $0x108;
	_ =	swait.ge @!p0 [sflag:s8], $0x0  }
0x24: {  	s3 =	sadd.s32 $0x88, s3;
	s6 =	simm.s32 @!p1 $0x1082;
	[sflag:s4] =	ssyncset.s32 $0xFFFFF086  }
0x25: {  	[simem:s6], [sflag:s4] =	dma.local [hbm:s3], $0xF7A  }
0x26: {  	[smem:$0x3F98] =	sst s1;
	(tag) =	ssettag s2;
	_ =	strace s9  }
0x27: {  	s1 =	sld [smem:$0x3FA8]  }
0x28: {  	s2 =	sld [smem:$0x3FA9]  }
0x29: {  	s4 =	sld [smem:$0x3FAB]  }
0x2a: {  	p0 =	seq.s32 s5, $0x0;
	s5 =	sld [smem:$0x3FAC]  }
0x2b: {  	s6 =	sld [smem:$0x3FAD]  }
0x2c: {  	s7 =	sld [smem:$0x3FAE]  }
0x2d: {  	s3 =	simm.s32 $0x108;
	s8 =	sld [smem:$0x3FAF]  }
0x2e: {  	s3 =	simm.s32 @!p0 $0x1082;
	s9 =	sld [smem:$0x3FB0]  }
0x2f: {  	lr =	sadd.s32 s0, s3;
	s0 =	sld [smem:$0x3FA7]  }
0x30: {  	s3 =	sld [smem:$0x3FAA]  }
0x31: {  	[smem:$0x3FB3] =	sst s10  }
0x32: {  	s10 =	sld [smem:$0x3FB1];
	_ =	sdelay $0x3  }
0x33: {  	p0 =	seq.s32 s10, $0x1;
	s10 =	sld [smem:$0x3FB3];
	_ =	sdelay $0x3  }
0x34: {  	[smem:$0x3FB3] =	sst s10  }
0x35: {  	s10 =	sld [smem:$0x3FB2];
	_ =	sdelay $0x3  }
0x36: {  	p1 =	seq.s32 s10, $0x1;
	s10 =	sld [smem:$0x3FB3];
	_ =	sdelay $0x3  }
0x37: {  	[smem:$0x3FB3] =	sst s10  }
0x38: {  	s10 =	sld [smem:$0x3FB4]  }
0x39: {  	_ = 	snop;
	(pc) =	sbr.ind lr, $3  }
0x3a: {  	_ = 	snop  }
0x3b: {  	_ = 	snop  }
0x3c: {  	p2 =	seq.s32 s10, $0x1;
	s10 =	sld [smem:$0x3FB3]  }
0x3d: {  	_ =	shalt  }
0x3e: {  	_ =	shalt  }
0x3f: {  	_ =	shalt  }
0x40: {  	_ =	shalt  }
0x41: {  	_ =	shalt  }
0x42: {  	_ =	shalt  }
0x43: {  	_ =	shalt  }
0x44: {  	_ =	shalt  }
0x45: {  	_ =	shalt  }
0x46: {  	_ =	shalt  }
0x47: {  	_ =	shalt  }
0x48: {  	_ =	shalt  }
0x49: {  	_ =	shalt  }
0x4a: {  	_ =	shalt  }
0x4b: {  	_ =	shalt  }
0x4c: {  	_ =	shalt  }
0x4d: {  	_ =	shalt  }
0x4e: {  	_ =	shalt  }
0x4f: {  	_ =	shalt  }
0x50: {  	_ =	shalt  }
0x51: {  	_ =	shalt  }
0x52: {  	_ =	shalt  }
0x53: {  	_ =	shalt  }
0x54: {  	_ =	shalt  }
0x55: {  	_ =	shalt  }
0x56: {  	_ =	shalt  }
0x57: {  	_ =	shalt  }
0x58: {  	_ =	shalt  }
0x59: {  	_ =	shalt  }
0x5a: {  	_ =	shalt  }
0x5b: {  	_ =	shalt  }
0x5c: {  	_ =	shalt  }
0x5d: {  	_ =	shalt  }
0x5e: {  	_ =	shalt  }
0x5f: {  	_ =	shalt  }
0x60: {  	_ =	shalt  }
0x61: {  	_ =	shalt  }
0x62: {  	_ =	shalt  }
0x63: {  	_ =	shalt  }
0x64: {  	_ =	shalt  }
0x65: {  	_ =	shalt  }
0x66: {  	_ =	shalt  }
0x67: {  	_ =	shalt  }
0x68: {  	_ =	shalt  }
0x69: {  	_ =	shalt  }
0x6a: {  	_ =	shalt  }
0x6b: {  	_ =	shalt  }
0x6c: {  	_ =	shalt  }
0x6d: {  	_ =	shalt  }
0x6e: {  	_ =	shalt  }
0x6f: {  	_ =	shalt  }
0x70: {  	_ =	shalt  }
0x71: {  	_ =	shalt  }
0x72: {  	_ =	shalt  }
0x73: {  	_ =	shalt  }
0x74: {  	_ =	shalt  }
0x75: {  	_ =	shalt  }
0x76: {  	_ =	shalt  }
0x77: {  	_ =	shalt  }
0x78: {  	_ =	shalt  }
0x79: {  	_ =	shalt  }
0x7a: {  	_ =	shalt  }
0x7b: {  	_ =	shalt  }
0x7c: {  	_ =	shalt  }
0x7d: {  	_ =	shalt  }
0x7e: {  	_ =	shalt  }
0x7f: {  	_ =	shalt  }
0x80: {  	_ =	shalt  }
0x81: {  	_ =	shalt  }
0x82: {  	_ =	shalt  }
0x83: {  	_ =	shalt  }
0x84: {  	_ =	shalt  }
0x85: {  	_ =	shalt  }
0x86: {  	_ =	shalt  }
0x87: {  	_ =	shalt  }
.Lfunc_end0:
.L_simem_size_0:
called_computation.1_lowered:
.L_overlay_start_0:
0x88: {  	s2 =	sld [smem:$0x3FD9]  }
0x89: {  	s3 =	sld [smem:$0x3FFE];
	_ =	sdelay $0x1  }
0x8a: {  	s1 =	srdreg.scid  }
0x8b: {  	s0 =	sand.u32 $0x1, s1  }
0x8c: {  	s17 =	sshll.u32 s0, $0xA;
	s2 =	sadd.s32 s3, s2  }
0x8d: {  	s2 =	sadd.s32 s2, s17  }
0x8e: {  	[smem:$0x3FBF] =	sst s2  }
0x8f: {  	_ = 	snop  }
0x90: {  	s2 =	sld [smem:$0x3FD0];
	(tm) =	ssettm $0x1  }
0x91: {  	s18 =	sld [smem:$0x3FFB];
	_ =	sdelay $0x3  }
0x92: {  	_ =	strace s18  }
0x93: {  	s3 =	sld [smem:$0x3FFC];
	_ =	sdelay $0x3  }
0x94: {  	_ =	strace s3  }
0x95: {  	s3 =	sld [smem:$0x3FFD];
	_ =	sdelay $0x3  }
0x96: {  	_ =	strace s3  }
0x97: {  	_ =	strace $0x8FFFFFFF  }
0x98: {  	s19 =	sld [smem:$0x3FDB];
	_ =	sdelay $0x1  }
0x99: {  	s4 =	simm.s32 $_scs_section_size  }
0x9a: {  	s5 =	simm.s32 $_size__tile_overlayer_lowered;
	s6 =	simm.s32 $_tile_overlayer_lowered  }
0x9b: {  	s22 =	simm.s32 $0x1BFF;
	s21 =	sshll.u32 s6, $0x1;
	s3 =	sadd.s32 s4, s19  }
0x9c: {  	s7 =	simm.s32 $0x0;
	s20 =	sshll.u32 s5, $0x1;
	s5 =	sadd.s32 s21, s3  }
0x9d: {  	[timem:s7], [sflag:s22] =	dma.local [hbm:s5], s20  }
0x9e: {  	_ =	swait.ge [sflag:s22], s20  }
0x9f: {  	s4 =	ssub.s32 $0x0, s20;
	[sflag:s22] =	ssyncset.done $0x0  }
0xa0: {  	[sflag:s22] =	ssyncadd.s32 s4;
	_ =	sdelay $0x1  }
0xa1: {  	s23 =	simm.s32 $0x1B8B  }
0xa2: {  	_ =	swait.ge [sflag:s23], $0x1  }
0xa3: {  	[sflag:s23] =	ssyncset.done $0x0  }
0xa4: {  	s25 =	simm.s32 $0x1B8E;
	s24 =	sld [smem:$0x3FFE];
	[sflag:s23] =	ssyncadd.s32 $0xFFFFFFFF  }
0xa5: {  	s26 =	simm.s32 $execute0_lowered;
	[smem:$0x3FD2] =	sst s25  }
0xa6: {  	s5 =	sshll.u32 s26, $0x1;
	_ =	strace $0x80000049;
	[dreg:$0x1] =	wrdreg $0xFFFFFFFF  }
0xa7: {  	s28 =	simm.s32 $_size_execute0_lowered;
	s3 =	sadd.s32 s3, s5;
	[dreg:$0x0] =	wrdreg $0x0  }
0xa8: {  	s5 =	sshll.u32 s28, $0x1;
	[dreg:$0x2] =	wrdreg s3  }
0xa9: {  	[dreg:$0x3] =	wrdreg s5  }
0xaa: {  	[dreg:$0x4] =	wrdreg $0xC0  }
0xab: {  	_ =	task [dreg:s7], $0x5FFFF  }
0xac: {  	[dreg:$0x1] =	wrdreg $0xFFFFFFFF  }
0xad: {  	[dreg:$0x0] =	wrdreg $0x60  }
0xae: {  	[dreg:$0x2] =	wrdreg s24  }
0xaf: {  	[dreg:$0x3] =	wrdreg s2  }
0xb0: {  	[dreg:$0x4] =	wrdreg $0x0  }
0xb1: {  	[dreg:$0x5] =	wrdreg $0x140000  }
0xb2: {  	[dreg:$0x6] =	wrdreg $0x9  }
0xb3: {  	_ =	task.clear_ibuf [dreg:s7], $0x7FFFF;
	_ =	strace $0x90000049  }
0xb4: {  	s29 =	simm.s32 $0x9;
	_ =	strace $0x8000004B  }
0xb5: {  	_ =	swait.ge [sflag:s29], $0x1  }
0xb6: {  	[sflag:s29] =	ssyncadd.s32 $0xFFFFFFFF  }
0xb7: {  	_ =	strace $0x9000004B  }
0xb8: {  	_ =	sfence  }
0xb9: {  	s30 =	sld [smem:$0x0];
	_ =	sdelay $0x2  }
0xba: {  	s31 =	sshll.u32 s1, $0xD;
	s1 =	sshrl.u32 s1, $0x2  }
0xbb: {  	s3 =	sand.u32 $0x4000, s31;
	s1 =	sadd.s32 s1, s30  }
0xbc: {  	s0 =	sor.u32 s3, s0;
	s1 =	sshll.u32 s1, $0x11  }
0xbd: {  	s0 =	sor.u32 s1, s0  }
0xbe: {  	s0 =	sadd.s32 $0x8F2B, s0  }
0xbf: {  	[sflag:s0] =	ssyncadd.remote.s32 $0x1  }
0xc0: {  	_ =	sfence.sel $0xFFFF  }
0xc1: {  	[dreg:$0x0] =	wrdreg $0xFFFFFFFF;
	(pc) =	sbr.abs _section_cstart, $3  }
0xc2: {  	[dreg:$0x1] =	wrdreg $0xFFFFFFFF  }
0xc3: {  	_ =	task.clear_ibuf [dreg:s7], $0x2FFFF;
	_ =	strace $0x9FFFFFFF  }
0xc4: {  	(tm) =	ssettm $0x7FFFFFFF  }
0xc5: {  	_ =	shalt  }
tec
execute0_lowered:
.L_overlay_start_1:
0x0: {  	(tag) =	ssettag $0x1  }
0x1: {  	s5 =	rddreg [dreg:$0x0]  }
0x2: {  	s6 =	rddreg [dreg:$0x1]  }
0x3: {  	s1 =	rddreg [dreg:$0x2]  }
0x4: {  	s2 =	rddreg [dreg:$0x3];
	s3 =	simm.s32 $0x0;
	s4 =	srdreg.scid  }
0x5: {  	s0 =	stileid.u32;
	s31 =	simm.s32 $0x19380;
	[smem:$0x7FF] =	sst s3  }
0x6: {  	s7 =	sand.u32 $0x1, s4;
	s17 =	sshll.u32 s0, $0x1;
	s19 =	smul.u32 $0x280, s0  }
0x7: {  	s10 =	sadd.s32 $0x4F7C00, s5;
	s11 =	sadd.s32 $0xBE00, s5;
	s8 =	smul.u32 $0x28000, s7  }
0x8: {  	s4 =	sadd.s32 $0x2000, s5;
	s9 =	sor.u32 s7, s17;
	s25 =	smul.u32 $0x500, s7  }
0x9: {  	p0 =	sne.s32 s0, $0x0;
	s18 =	ssub.s32 $0x2, s7;
	s12 =	smul.u32 $0x2710, s9  }
0xa: {  	_ =	strace $0x8000004A;
	s13 =	sshrl.u32 s18, $0x1;
	s9 =	smul.u32 $0x27100, s9  }
0xb: {  	s5 =	sadd.s32 s8, s5;
	s8 =	ssub.s32 s18, s13;
	s6 =	sadd.s32 s6, s25  }
0xc: {  	s14 =	sshrl.u32 s12, $0x3;
	s9 =	sadd.s32 s10, s9;
	s20 =	sadd.s32 $0x50, s12  }
0xd: {  	s21 =	sadd.s32 $0xA0, s12;
	s24 =	sadd.s32 $0xF0, s12;
	[dreg:$0xd] =	wrdreg s6  }
0xe: {  	s29 =	smax.u32 s8, $0x1;
	s8 =	sshrl.u32 s19, $0x3;
	s13 =	sadd.s32 $0x26C0, s12  }
0xf: {  	s14 =	sadd.s32 s11, s14;
	[dreg:$0x6] =	wrdreg s9;
	s15 =	sshrl.u32 s20, $0x3  }
0x10: {  	s9 =	sshll.u32 s20, $0x4;
	s16 =	sshrl.u32 s21, $0x3;
	s23 =	sshll.u32 s21, $0x4  }
0x11: {  	s26 =	sshrl.u32 s24, $0x3;
	[dreg:$0xe] =	wrdreg s29;
	s12 =	sshrl.u32 s13, $0x3  }
0x12: {  	s6 =	sshll.u32 s13, $0x4;
	[dreg:$0x5] =	wrdreg s14;
	s15 =	sadd.s32 s11, s15  }
0x13: {  	s13 =	simm.s32 $0x5;
	s9 =	sadd.s32 s10, s9;
	[dreg:$0x7] =	wrdreg s15  }
0x14: {  	s22 =	sadd.s32 s11, s16;
	s14 =	sshll.u32 s24, $0x4;
	[dreg:$0x8] =	wrdreg s9  }
0x15: {  	s16 =	smul.u32 $0x2710, s7;
	s6 =	sadd.s32 s10, s6;
	[dreg:$0x9] =	wrdreg s22  }
0x16: {  	s7 =	smul.u32 $0x27100, s7;
	s19 =	sadd.s32 s11, s12;
	[dreg:$0xf] =	wrdreg s6  }
0x17: {  	s12 =	simm.s32 $0x19400;
	s9 =	sadd.s32 s10, s23;
	[dreg:$0x11] =	wrdreg s19  }
0x18: {  	s28 =	sadd.s32 s10, s14;
	s15 =	sadd.s32 s4, s8;
	[dreg:$0xa] =	wrdreg s9  }
0x19: {  	s14 =	smul.u32 $0x4E20, s0;
	s9 =	sadd.s32 s11, s26;
	[dreg:$0xc] =	wrdreg s28  }
0x1a: {  	s22 =	smul.u32 $0x2800, s0;
	s18 =	sadd.s32 $0xA, s15;
	[dreg:$0xb] =	wrdreg s9  }
0x1b: {  	s23 =	smul.u32 $0x50, s0;
	s24 =	sadd.s32 $0x14, s15;
	[dreg:$0x10] =	wrdreg s18  }
0x1c: {  	s25 =	sadd.s32 $0x1E, s15;
	s26 =	sadd.s32 $0x28, s15;
	[dreg:$0x12] =	wrdreg s24  }
0x1d: {  	s28 =	sadd.s32 $0x32, s15;
	s29 =	sadd.s32 $0x3C, s15;
	[dreg:$0x13] =	wrdreg s25  }
0x1e: {  	s30 =	sadd.s32 $0x46, s15;
	s9 =	smul.u32 $0x4E200, s0;
	[dreg:$0x14] =	wrdreg s26  }
0x1f: {  	s20 =	sadd.s32 s16, s14;
	s5 =	sadd.s32 s22, s5;
	[dreg:$0x15] =	wrdreg s28  }
0x20: {  	s24 =	sadd.s32 s23, s4;
	[dreg:$0x16] =	wrdreg s29;
	s0 =	simm.s32 $0x7  }
0x21: {  	s14 =	simm.s32 $0x2;
	s16 =	simm.s32 $0x4;
	s18 =	simm.s32 $0x0  }
0x22: {  	s21 =	sadd.s32 $0x190, s20;
	s8 =	sadd.s32 $0x140, s20;
	s25 =	sadd.s32 $0x15C00, s5  }
0x23: {  	s5 =	simm.s32 $0x50;
	s17 =	sadd.s32 s9, s10;
	s8 =	sshrl.u32 s8, $0x3  }
0x24: {  	s9 =	simm.s32 $0x16B80;
	s10 =	simm.s32 $0x1;
	s6 =	sadd.s32 s7, s17  }
0x25: {  	s7 =	sshrl.u32 s21, $0x3;
	s20 =	sadd.s32 s8, s11;
	s8 =	simm.s32 $0x14300  }
0x26: {  	s17 =	simm.s32 $0x6;
	s19 =	sadd.s32 s7, s11;
	s22 =	sadd.s32 $0x1900, s6  }
0x27: {  	v0 =	vimm.f32 $0.0e+00;
	v1 =	vimm.f32 $1.000000000e+00;
	s6 =	simm.s32 $0x14380;
	s7 =	simm.s32 $0x14280;
	s11 =	simm.s32 $0x3  }
.LBB2_1:
0x28: {  	s21 =	simm.s32 $0x0;
	s23 =	simm.s32 $0x200  }
.LBB2_2:
0x29: {  	p1 =	sne.s32 s23, $0x9E00;
	[tilespmem:s21+$0x143F0] =	vst v0  }
0x2a: {  	[tilespmem:s21+$0x14380] =	vst v0  }
0x2b: {  	[tilespmem:s21+$0x14390] =	vst v0  }
.Ltmp0:
0x2c: {  	[tilespmem:s21+$0x143A0] =	vst v0;
	(pc) =	sbr.rel @p1 .LBB2_2-.Ltmp0, $4  }
0x2d: {  	[tilespmem:s21+$0x143B0] =	vst v0  }
0x2e: {  	[tilespmem:s21+$0x143C0] =	vst v0  }
0x2f: {  	[tilespmem:s21+$0x143D0] =	vst v0  }
0x30: {  	[tilespmem:s21+$0x143E0] =	vst v0;
	s21 =	sshra.s32 s23, $0x2;
	s23 =	sadd.s32 $0x200, s23  }
0x31: {  	[tilespmem:s21+$0x143F0] =	vst v0  }
0x32: {  	[tilespmem:s21+$0x14380] =	vst v0  }
0x33: {  	[tilespmem:s21+$0x14390] =	vst v0  }
0x34: {  	[tilespmem:s21+$0x143A0] =	vst v0  }
0x35: {  	[tilespmem:s21+$0x143B0] =	vst v0  }
0x36: {  	[tilespmem:s21+$0x143C0] =	vst v0  }
0x37: {  	[tilespmem:s21+$0x143D0] =	vst v0  }
0x38: {  	[tilespmem:s21+$0x143E0] =	vst v0;
	s21 =	simm.s32 $0x0;
	s23 =	simm.s32 $0x200  }
.LBB2_4:
0x39: {  	p1 =	sne.s32 s23, $0x9E00;
	[tilespmem:s21+$0x19470] =	vst v0  }
0x3a: {  	[tilespmem:s21+$0x19400] =	vst v0  }
0x3b: {  	[tilespmem:s21+$0x19410] =	vst v0  }
.Ltmp1:
0x3c: {  	[tilespmem:s21+$0x19420] =	vst v0;
	(pc) =	sbr.rel @p1 .LBB2_4-.Ltmp1, $4  }
0x3d: {  	[tilespmem:s21+$0x19430] =	vst v0  }
0x3e: {  	[tilespmem:s21+$0x19440] =	vst v0  }
0x3f: {  	[tilespmem:s21+$0x19450] =	vst v0  }
0x40: {  	[tilespmem:s21+$0x19460] =	vst v0;
	s21 =	sshra.s32 s23, $0x2;
	s23 =	sadd.s32 $0x200, s23  }
0x41: {  	[tilespmem:s21+$0x19470] =	vst v0  }
0x42: {  	[tilespmem:s21+$0x19400] =	vst v0  }
0x43: {  	[tilespmem:s21+$0x19410] =	vst v0  }
0x44: {  	[tilespmem:s21+$0x19420] =	vst v0  }
0x45: {  	[tilespmem:s21+$0x19430] =	vst v0  }
0x46: {  	[tilespmem:s21+$0x19440] =	vst v0  }
0x47: {  	[tilespmem:s21+$0x19450] =	vst v0  }
0x48: {  	[tilespmem:s21+$0x19460] =	vst v0  }
0x49: {  	[tilespmem:s31], [sflag:$0x7] =	stream.linear.gather [hbm4b:s15+s3], $0x50, $0x38;
	[tilespmem:$0x1E400] =	vst v63  }
0x4a: {  	_ =	swait.ge [sflag:s0], $0x50  }
0x4b: {  	[sflag:s0] =	ssyncset.done $0x0  }
0x4c: {  	[sflag:s0] =	ssyncadd.s32 $0xFFFFFFB0  }
0x4d: {  	[spmem:s1] =	stream.indirect.scatter [tilespmem:s6], [sflag:$0x7], $0x80, s31, s5, $0xb8;
	[tilespmem:$0x1E400] =	vst v63  }
0x4e: {  	_ =	swait.ge [sflag:s0], $0x2800  }
0x4f: {  	[sflag:s0] =	ssyncset.done $0x0  }
0x50: {  	s23 =	rddreg [dreg:$0x10];
	[sflag:s0] =	ssyncadd.s32 $0xFFFFD800  }
0x51: {  	[tilespmem:s31], [sflag:$0x7] =	stream.linear.gather [hbm4b:s23+s3], $0x50, $0x38;
	[tilespmem:$0x1E400] =	vst v63  }
0x52: {  	_ =	swait.ge [sflag:s0], $0x50  }
0x53: {  	[sflag:s0] =	ssyncset.done $0x0  }
0x54: {  	[sflag:s0] =	ssyncadd.s32 $0xFFFFFFB0  }
0x55: {  	[spmem:s1] =	stream.indirect.scatter [tilespmem:s6], [sflag:$0x7], $0x80, s31, s5, $0xb8;
	[tilespmem:$0x1E400] =	vst v63  }
0x56: {  	_ =	swait.ge [sflag:s0], $0x2800  }
0x57: {  	[sflag:s0] =	ssyncset.done $0x0  }
0x58: {  	s26 =	rddreg [dreg:$0x12];
	[sflag:s0] =	ssyncadd.s32 $0xFFFFD800  }
0x59: {  	[tilespmem:s31], [sflag:$0x7] =	stream.linear.gather [hbm4b:s26+s3], $0x50, $0x38;
	[tilespmem:$0x1E400] =	vst v63  }
0x5a: {  	_ =	swait.ge [sflag:s0], $0x50  }
0x5b: {  	[sflag:s0] =	ssyncset.done $0x0  }
0x5c: {  	[sflag:s0] =	ssyncadd.s32 $0xFFFFFFB0  }
0x5d: {  	[spmem:s1] =	stream.indirect.scatter [tilespmem:s6], [sflag:$0x7], $0x80, s31, s5, $0xb8;
	[tilespmem:$0x1E400] =	vst v63  }
0x5e: {  	_ =	swait.ge [sflag:s0], $0x2800  }
0x5f: {  	[sflag:s0] =	ssyncset.done $0x0  }
0x60: {  	s28 =	rddreg [dreg:$0x13];
	[sflag:s0] =	ssyncadd.s32 $0xFFFFD800  }
0x61: {  	[tilespmem:s31], [sflag:$0x7] =	stream.linear.gather [hbm4b:s28+s3], $0x50, $0x38;
	[tilespmem:$0x1E400] =	vst v63  }
0x62: {  	_ =	swait.ge [sflag:s0], $0x50  }
0x63: {  	[sflag:s0] =	ssyncset.done $0x0  }
0x64: {  	[sflag:s0] =	ssyncadd.s32 $0xFFFFFFB0  }
0x65: {  	[spmem:s1] =	stream.indirect.scatter [tilespmem:s6], [sflag:$0x7], $0x80, s31, s5, $0xb8;
	[tilespmem:$0x1E400] =	vst v63  }
0x66: {  	_ =	swait.ge [sflag:s0], $0x2800  }
0x67: {  	[sflag:s0] =	ssyncset.done $0x0  }
0x68: {  	s29 =	rddreg [dreg:$0x14];
	[sflag:s0] =	ssyncadd.s32 $0xFFFFD800  }
0x69: {  	[tilespmem:s31], [sflag:$0x7] =	stream.linear.gather [hbm4b:s29+s3], $0x50, $0x38;
	[tilespmem:$0x1E400] =	vst v63  }
0x6a: {  	_ =	swait.ge [sflag:s0], $0x50  }
0x6b: {  	[sflag:s0] =	ssyncset.done $0x0  }
0x6c: {  	[sflag:s0] =	ssyncadd.s32 $0xFFFFFFB0  }
0x6d: {  	[spmem:s1] =	stream.indirect.scatter [tilespmem:s6], [sflag:$0x7], $0x80, s31, s5, $0xb8;
	[tilespmem:$0x1E400] =	vst v63  }
0x6e: {  	_ =	swait.ge [sflag:s0], $0x2800  }
0x6f: {  	[sflag:s0] =	ssyncset.done $0x0  }
0x70: {  	s23 =	rddreg [dreg:$0x15];
	[sflag:s0] =	ssyncadd.s32 $0xFFFFD800  }
0x71: {  	[tilespmem:s31], [sflag:$0x7] =	stream.linear.gather [hbm4b:s23+s3], $0x50, $0x38;
	[tilespmem:$0x1E400] =	vst v63  }
0x72: {  	_ =	swait.ge [sflag:s0], $0x50  }
0x73: {  	[sflag:s0] =	ssyncset.done $0x0  }
0x74: {  	[sflag:s0] =	ssyncadd.s32 $0xFFFFFFB0  }
0x75: {  	[spmem:s1] =	stream.indirect.scatter [tilespmem:s6], [sflag:$0x7], $0x80, s31, s5, $0xb8;
	[tilespmem:$0x1E400] =	vst v63  }
0x76: {  	_ =	swait.ge [sflag:s0], $0x2800  }
0x77: {  	[sflag:s0] =	ssyncset.done $0x0  }
0x78: {  	s26 =	rddreg [dreg:$0x16];
	[sflag:s0] =	ssyncadd.s32 $0xFFFFD800  }
0x79: {  	[tilespmem:s31], [sflag:$0x7] =	stream.linear.gather [hbm4b:s26+s3], $0x50, $0x38;
	[tilespmem:$0x1E400] =	vst v63  }
0x7a: {  	_ =	swait.ge [sflag:s0], $0x50  }
0x7b: {  	[sflag:s0] =	ssyncset.done $0x0  }
0x7c: {  	[sflag:s0] =	ssyncadd.s32 $0xFFFFFFB0  }
0x7d: {  	[spmem:s1] =	stream.indirect.scatter [tilespmem:s6], [sflag:$0x7], $0x80, s31, s5, $0xb8;
	[tilespmem:$0x1E400] =	vst v63  }
0x7e: {  	_ =	swait.ge [sflag:s0], $0x2800  }
0x7f: {  	[sflag:s0] =	ssyncset.done $0x0  }
0x80: {  	[sflag:s0] =	ssyncadd.s32 $0xFFFFD800  }
0x81: {  	[tilespmem:s31], [sflag:$0x7] =	stream.linear.gather [hbm4b:s30+s3], $0x50, $0x38;
	[tilespmem:$0x1E400] =	vst v63  }
0x82: {  	_ =	swait.ge [sflag:s0], $0x50  }
0x83: {  	[sflag:s0] =	ssyncset.done $0x0  }
0x84: {  	[sflag:s0] =	ssyncadd.s32 $0xFFFFFFB0  }
0x85: {  	[spmem:s1] =	stream.indirect.scatter [tilespmem:s6], [sflag:$0x7], $0x80, s31, s5, $0xb8;
	[tilespmem:$0x1E400] =	vst v63  }
0x86: {  	_ =	swait.ge [sflag:s0], $0x2800  }
0x87: {  	[sflag:s0] =	ssyncset.done $0x0  }
0x88: {  	s21 =	simm.s32 @!p0 $0x0;
	s23 =	simm.s32 @!p0 $0x19380;
	[sflag:s0] =	ssyncadd.s32 $0xFFFFD800  }
0x89: {  	[tilespmem:s23], [sflag:$0x7] =	stream.linear.gather @!p0 [hbm4b:s4+s21], $0x50, $0x38;
	[tilespmem:$0x1E400] =	vst v63  }
0x8a: {  	s21 =	simm.s32 @!p0 $0x7  }
0x8b: {  	_ =	swait.ge @!p0 [sflag:s21], $0x50  }
0x8c: {  	[sflag:s21] =	ssyncset.done @!p0 $0x0  }
0x8d: {  	s28 =	simm.s32 @!p0 $0x14380;
	s26 =	simm.s32 @!p0 $0x50;
	[sflag:s21] =	ssyncadd.s32 @!p0 $0xFFFFFFB0  }
0x8e: {  	[spmem:s2] =	stream.indirect.scatter @!p0 [tilespmem:s28], [sflag:$0x7], $0x80, s23, s26, $0xb8;
	[tilespmem:$0x1E400] =	vst v63  }
0x8f: {  	_ =	swait.ge @!p0 [sflag:s21], $0x2800  }
0x90: {  	[sflag:s21] =	ssyncset.done @!p0 $0x0  }
0x91: {  	[sflag:s21] =	ssyncadd.s32 @!p0 $0xFFFFD800  }
0x92: {  	[bflag:$0x0] =	sbarrier.arrive $0xFFFF  }
0x93: {  	s21 =	simm.s32 $0x0;
	s28 =	rddreg [dreg:$0x5]  }
0x94: {  	[tilespmem:s7], [sflag:$0x1] =	stream.linear.gather [hbm4b:s28+s21], $0x50, $0x38;
	[tilespmem:$0x1E400] =	vst v63  }
0x95: {  	s29 =	rddreg [dreg:$0x6]  }
0x96: {  	[tilespmem:s6], [sflag:$0x3] =	stream.linear.gather [hbm4b:s29+s21], $0x2800, $0x38;
	[tilespmem:$0x1E400] =	vst v63  }
0x97: {  	s26 =	rddreg [dreg:$0x7]  }
0x98: {  	[tilespmem:s8], [sflag:$0x2] =	stream.linear.gather [hbm4b:s26+s21], $0x50, $0x38;
	[tilespmem:$0x1E400] =	vst v63  }
0x99: {  	s28 =	rddreg [dreg:$0x8]  }
0x9a: {  	[tilespmem:s9], [sflag:$0x4] =	stream.linear.gather [hbm4b:s28+s21], $0x2800, $0x38;
	[tilespmem:$0x1E400] =	vst v63  }
0x9b: {  	_ =	swait.ge [sflag:s10], $0x50  }
0x9c: {  	[sflag:s10] =	ssyncset.done $0x0  }
0x9d: {  	[sflag:s10] =	ssyncadd.s32 $0xFFFFFFB0  }
0x9e: {  	_ =	swait.ge [sflag:s11], $0x2800  }
0x9f: {  	[sflag:s11] =	ssyncset.done $0x0  }
0xa0: {  	[sflag:s11] =	ssyncadd.s32 $0xFFFFD800  }
0xa1: {  	[spmem:s1] =	stream.indirect.scatter.add.f32 [tilespmem:s6], [sflag:$0x5], $0x80, s7, s5, $0xb8;
	[tilespmem:$0x1E400] =	vst v63  }
0xa2: {  	v2 =	vld [tilespmem:$0x14280];
	_ =	sdelay $0x7  }
0xa3: {  	[tilespmem:v2+s12+$0x0] =	vst.idx.add.f32.msk $0xffff, v1  }
0xa4: {  	v2 =	vld [tilespmem:$0x14290];
	_ =	sdelay $0x7  }
0xa5: {  	[tilespmem:v2+s12+$0x0] =	vst.idx.add.f32.msk $0xffff, v1  }
0xa6: {  	v2 =	vld [tilespmem:$0x142A0];
	_ =	sdelay $0x7  }
0xa7: {  	[tilespmem:v2+s12+$0x0] =	vst.idx.add.f32.msk $0xffff, v1  }
0xa8: {  	v2 =	vld [tilespmem:$0x142B0];
	_ =	sdelay $0x7  }
0xa9: {  	[tilespmem:v2+s12+$0x0] =	vst.idx.add.f32.msk $0xffff, v1  }
0xaa: {  	v2 =	vld [tilespmem:$0x142C0];
	_ =	sdelay $0x7  }
0xab: {  	[tilespmem:v2+s12+$0x0] =	vst.idx.add.f32.msk $0xffff, v1  }
0xac: {  	_ =	swait.ge [sflag:s13], $0x2800  }
0xad: {  	[sflag:s13] =	ssyncset.done $0x0  }
0xae: {  	s29 =	rddreg [dreg:$0x9];
	[sflag:s13] =	ssyncadd.s32 $0xFFFFD800  }
0xaf: {  	[tilespmem:s7], [sflag:$0x1] =	stream.linear.gather [hbm4b:s29+s21], $0x50, $0x38;
	[tilespmem:$0x1E400] =	vst v63  }
0xb0: {  	s26 =	rddreg [dreg:$0xa]  }
0xb1: {  	[tilespmem:s6], [sflag:$0x3] =	stream.linear.gather [hbm4b:s26+s21], $0x2800, $0x38;
	[tilespmem:$0x1E400] =	vst v63  }
0xb2: {  	_ =	swait.ge [sflag:s14], $0x50  }
0xb3: {  	[sflag:s14] =	ssyncset.done $0x0  }
0xb4: {  	[sflag:s14] =	ssyncadd.s32 $0xFFFFFFB0  }
0xb5: {  	_ =	swait.ge [sflag:s16], $0x2800  }
0xb6: {  	[sflag:s16] =	ssyncset.done $0x0  }
0xb7: {  	[sflag:s16] =	ssyncadd.s32 $0xFFFFD800  }
0xb8: {  	[spmem:s1] =	stream.indirect.scatter.add.f32 [tilespmem:s9], [sflag:$0x6], $0x80, s8, s5, $0xb8;
	[tilespmem:$0x1E400] =	vst v63  }
0xb9: {  	v2 =	vld [tilespmem:$0x14300];
	_ =	sdelay $0x7  }
0xba: {  	[tilespmem:v2+s12+$0x0] =	vst.idx.add.f32.msk $0xffff, v1  }
0xbb: {  	v2 =	vld [tilespmem:$0x14310];
	_ =	sdelay $0x7  }
0xbc: {  	[tilespmem:v2+s12+$0x0] =	vst.idx.add.f32.msk $0xffff, v1  }
0xbd: {  	v2 =	vld [tilespmem:$0x14320];
	_ =	sdelay $0x7  }
0xbe: {  	[tilespmem:v2+s12+$0x0] =	vst.idx.add.f32.msk $0xffff, v1  }
0xbf: {  	v2 =	vld [tilespmem:$0x14330];
	_ =	sdelay $0x7  }
0xc0: {  	[tilespmem:v2+s12+$0x0] =	vst.idx.add.f32.msk $0xffff, v1  }
0xc1: {  	v2 =	vld [tilespmem:$0x14340];
	_ =	sdelay $0x7  }
0xc2: {  	[tilespmem:v2+s12+$0x0] =	vst.idx.add.f32.msk $0xffff, v1  }
0xc3: {  	_ =	swait.ge [sflag:s17], $0x2800  }
0xc4: {  	[sflag:s17] =	ssyncset.done $0x0  }
0xc5: {  	s28 =	rddreg [dreg:$0xb];
	[sflag:s17] =	ssyncadd.s32 $0xFFFFD800  }
0xc6: {  	[tilespmem:s8], [sflag:$0x2] =	stream.linear.gather [hbm4b:s28+s21], $0x50, $0x38;
	[tilespmem:$0x1E400] =	vst v63  }
0xc7: {  	s23 =	smov.u32 s22;
	s29 =	rddreg [dreg:$0xc]  }
0xc8: {  	[tilespmem:s9], [sflag:$0x4] =	stream.linear.gather [hbm4b:s29+s21], $0x2800, $0x38;
	[tilespmem:$0x1E400] =	vst v63  }
.LBB2_6:
0xc9: {  	_ =	swait.ge [sflag:s10], $0x50  }
0xca: {  	[sflag:s10] =	ssyncset.done $0x0  }
0xcb: {  	[sflag:s10] =	ssyncadd.s32 $0xFFFFFFB0  }
0xcc: {  	_ =	swait.ge [sflag:s11], $0x2800  }
0xcd: {  	[sflag:s11] =	ssyncset.done $0x0  }
0xce: {  	[sflag:s11] =	ssyncadd.s32 $0xFFFFD800  }
0xcf: {  	[spmem:s1] =	stream.indirect.scatter.add.f32 [tilespmem:s6], [sflag:$0x5], $0x80, s7, s5, $0xb8;
	[tilespmem:$0x1E400] =	vst v63  }
0xd0: {  	v2 =	vld [tilespmem:$0x14280];
	_ =	sdelay $0x7  }
0xd1: {  	[tilespmem:v2+s12+$0x0] =	vst.idx.add.f32.msk $0xffff, v1  }
0xd2: {  	v2 =	vld [tilespmem:$0x14290];
	_ =	sdelay $0x7  }
0xd3: {  	[tilespmem:v2+s12+$0x0] =	vst.idx.add.f32.msk $0xffff, v1  }
0xd4: {  	v2 =	vld [tilespmem:$0x142A0];
	_ =	sdelay $0x7  }
0xd5: {  	[tilespmem:v2+s12+$0x0] =	vst.idx.add.f32.msk $0xffff, v1  }
0xd6: {  	v2 =	vld [tilespmem:$0x142B0];
	_ =	sdelay $0x7  }
0xd7: {  	[tilespmem:v2+s12+$0x0] =	vst.idx.add.f32.msk $0xffff, v1  }
0xd8: {  	v2 =	vld [tilespmem:$0x142C0];
	_ =	sdelay $0x7  }
0xd9: {  	[tilespmem:v2+s12+$0x0] =	vst.idx.add.f32.msk $0xffff, v1  }
0xda: {  	_ =	swait.ge [sflag:s13], $0x2800  }
0xdb: {  	[sflag:s13] =	ssyncset.done $0x0  }
0xdc: {  	s26 =	sadd.s32 s21, s20;
	[sflag:s13] =	ssyncadd.s32 $0xFFFFD800  }
0xdd: {  	[tilespmem:s7], [sflag:$0x1] =	stream.linear.gather [hbm4b:s26+s3], $0x50, $0x38;
	[tilespmem:$0x1E400] =	vst v63  }
0xde: {  	s28 =	sadd.s32 $0xFFFFFB00, s23  }
0xdf: {  	[tilespmem:s6], [sflag:$0x3] =	stream.linear.gather [hbm4b:s28+s3], $0x2800, $0x38;
	[tilespmem:$0x1E400] =	vst v63  }
0xe0: {  	_ =	swait.ge [sflag:s14], $0x50  }
0xe1: {  	[sflag:s14] =	ssyncset.done $0x0  }
0xe2: {  	[sflag:s14] =	ssyncadd.s32 $0xFFFFFFB0  }
0xe3: {  	_ =	swait.ge [sflag:s16], $0x2800  }
0xe4: {  	[sflag:s16] =	ssyncset.done $0x0  }
0xe5: {  	[sflag:s16] =	ssyncadd.s32 $0xFFFFD800  }
0xe6: {  	[spmem:s1] =	stream.indirect.scatter.add.f32 [tilespmem:s9], [sflag:$0x6], $0x80, s8, s5, $0xb8;
	[tilespmem:$0x1E400] =	vst v63  }
0xe7: {  	v2 =	vld [tilespmem:$0x14300];
	_ =	sdelay $0x7  }
0xe8: {  	[tilespmem:v2+s12+$0x0] =	vst.idx.add.f32.msk $0xffff, v1  }
0xe9: {  	v2 =	vld [tilespmem:$0x14310];
	_ =	sdelay $0x7  }
0xea: {  	[tilespmem:v2+s12+$0x0] =	vst.idx.add.f32.msk $0xffff, v1  }
0xeb: {  	v2 =	vld [tilespmem:$0x14320];
	_ =	sdelay $0x7  }
0xec: {  	[tilespmem:v2+s12+$0x0] =	vst.idx.add.f32.msk $0xffff, v1  }
0xed: {  	v2 =	vld [tilespmem:$0x14330];
	_ =	sdelay $0x7  }
0xee: {  	[tilespmem:v2+s12+$0x0] =	vst.idx.add.f32.msk $0xffff, v1  }
0xef: {  	v2 =	vld [tilespmem:$0x14340];
	_ =	sdelay $0x7  }
0xf0: {  	[tilespmem:v2+s12+$0x0] =	vst.idx.add.f32.msk $0xffff, v1  }
0xf1: {  	_ =	swait.ge [sflag:s17], $0x2800  }
0xf2: {  	p1 =	sne.s32 s21, $0x49C;
	[sflag:s17] =	ssyncset.done $0x0  }
.Ltmp2:
0xf3: {  	s29 =	sadd.s32 s21, s19;
	[sflag:s17] =	ssyncadd.s32 $0xFFFFD800;
	(pc) =	sbr.rel @p1 .LBB2_6-.Ltmp2, $4  }
0xf4: {  	[tilespmem:s8], [sflag:$0x2] =	stream.linear.gather [hbm4b:s29+s3], $0x50, $0x38;
	[tilespmem:$0x1E400] =	vst v63  }
0xf5: {  	_ = 	snop  }
0xf6: {  	[tilespmem:s9], [sflag:$0x4] =	stream.linear.gather [hbm4b:s23+s3], $0x2800, $0x38;
	[tilespmem:$0x1E400] =	vst v63  }
0xf7: {  	s21 =	sadd.s32 $0x14, s21;
	s23 =	sadd.s32 $0xA00, s23  }
0xf8: {  	_ =	swait.ge [sflag:s10], $0x50  }
0xf9: {  	[sflag:s10] =	ssyncset.done $0x0  }
0xfa: {  	[sflag:s10] =	ssyncadd.s32 $0xFFFFFFB0  }
0xfb: {  	_ =	swait.ge [sflag:s11], $0x2800  }
0xfc: {  	[sflag:s11] =	ssyncset.done $0x0  }
0xfd: {  	[sflag:s11] =	ssyncadd.s32 $0xFFFFD800  }
0xfe: {  	[spmem:s1] =	stream.indirect.scatter.add.f32 [tilespmem:s6], [sflag:$0x5], $0x80, s7, s5, $0xb8;
	[tilespmem:$0x1E400] =	vst v63  }
0xff: {  	v2 =	vld [tilespmem:$0x14280];
	_ =	sdelay $0x7  }
0x100: {  	[tilespmem:v2+s12+$0x0] =	vst.idx.add.f32.msk $0xffff, v1  }
0x101: {  	v2 =	vld [tilespmem:$0x14290];
	_ =	sdelay $0x7  }
0x102: {  	[tilespmem:v2+s12+$0x0] =	vst.idx.add.f32.msk $0xffff, v1  }
0x103: {  	v2 =	vld [tilespmem:$0x142A0];
	_ =	sdelay $0x7  }
0x104: {  	[tilespmem:v2+s12+$0x0] =	vst.idx.add.f32.msk $0xffff, v1  }
0x105: {  	v2 =	vld [tilespmem:$0x142B0];
	_ =	sdelay $0x7  }
0x106: {  	[tilespmem:v2+s12+$0x0] =	vst.idx.add.f32.msk $0xffff, v1  }
0x107: {  	v2 =	vld [tilespmem:$0x142C0];
	_ =	sdelay $0x7  }
0x108: {  	[tilespmem:v2+s12+$0x0] =	vst.idx.add.f32.msk $0xffff, v1  }
0x109: {  	_ =	swait.ge [sflag:s13], $0x2800  }
0x10a: {  	[sflag:s13] =	ssyncset.done $0x0  }
0x10b: {  	s21 =	simm.s32 $0x0;
	s23 =	rddreg [dreg:$0x11];
	[sflag:s13] =	ssyncadd.s32 $0xFFFFD800  }
0x10c: {  	[tilespmem:s7], [sflag:$0x1] =	stream.linear.gather [hbm4b:s23+s21], $0x50, $0x38;
	[tilespmem:$0x1E400] =	vst v63  }
0x10d: {  	s29 =	rddreg [dreg:$0xf]  }
0x10e: {  	[tilespmem:s6], [sflag:$0x3] =	stream.linear.gather [hbm4b:s29+s21], $0x2800, $0x38;
	[tilespmem:$0x1E400] =	vst v63  }
0x10f: {  	_ =	swait.ge [sflag:s14], $0x50  }
0x110: {  	[sflag:s14] =	ssyncset.done $0x0  }
0x111: {  	[sflag:s14] =	ssyncadd.s32 $0xFFFFFFB0  }
0x112: {  	_ =	swait.ge [sflag:s16], $0x2800  }
0x113: {  	[sflag:s16] =	ssyncset.done $0x0  }
0x114: {  	[sflag:s16] =	ssyncadd.s32 $0xFFFFD800  }
0x115: {  	[spmem:s1] =	stream.indirect.scatter.add.f32 [tilespmem:s9], [sflag:$0x6], $0x80, s8, s5, $0xb8;
	[tilespmem:$0x1E400] =	vst v63  }
0x116: {  	v2 =	vld [tilespmem:$0x14300];
	_ =	sdelay $0x7  }
0x117: {  	[tilespmem:v2+s12+$0x0] =	vst.idx.add.f32.msk $0xffff, v1  }
0x118: {  	v2 =	vld [tilespmem:$0x14310];
	_ =	sdelay $0x7  }
0x119: {  	[tilespmem:v2+s12+$0x0] =	vst.idx.add.f32.msk $0xffff, v1  }
0x11a: {  	v2 =	vld [tilespmem:$0x14320];
	_ =	sdelay $0x7  }
0x11b: {  	[tilespmem:v2+s12+$0x0] =	vst.idx.add.f32.msk $0xffff, v1  }
0x11c: {  	v2 =	vld [tilespmem:$0x14330];
	_ =	sdelay $0x7  }
0x11d: {  	[tilespmem:v2+s12+$0x0] =	vst.idx.add.f32.msk $0xffff, v1  }
0x11e: {  	v2 =	vld [tilespmem:$0x14340];
	_ =	sdelay $0x7  }
0x11f: {  	[tilespmem:v2+s12+$0x0] =	vst.idx.add.f32.msk $0xffff, v1  }
0x120: {  	_ =	swait.ge [sflag:s17], $0x2800  }
0x121: {  	[sflag:s17] =	ssyncset.done $0x0  }
0x122: {  	[sflag:s17] =	ssyncadd.s32 $0xFFFFD800  }
0x123: {  	_ =	swait.ge [sflag:s10], $0x50  }
0x124: {  	[sflag:s10] =	ssyncset.done $0x0  }
0x125: {  	[sflag:s10] =	ssyncadd.s32 $0xFFFFFFB0  }
0x126: {  	_ =	swait.ge [sflag:s11], $0x2800  }
0x127: {  	[sflag:s11] =	ssyncset.done $0x0  }
0x128: {  	[sflag:s11] =	ssyncadd.s32 $0xFFFFD800  }
0x129: {  	[spmem:s1] =	stream.indirect.scatter.add.f32 [tilespmem:s6], [sflag:$0x5], $0x80, s7, s5, $0xb8;
	[tilespmem:$0x1E400] =	vst v63  }
0x12a: {  	v2 =	vld [tilespmem:$0x14280];
	_ =	sdelay $0x7  }
0x12b: {  	[tilespmem:v2+s12+$0x0] =	vst.idx.add.f32.msk $0xffff, v1  }
0x12c: {  	v2 =	vld [tilespmem:$0x14290];
	_ =	sdelay $0x7  }
0x12d: {  	[tilespmem:v2+s12+$0x0] =	vst.idx.add.f32.msk $0xffff, v1  }
0x12e: {  	v2 =	vld [tilespmem:$0x142A0];
	_ =	sdelay $0x7  }
0x12f: {  	[tilespmem:v2+s12+$0x0] =	vst.idx.add.f32.msk $0xffff, v1  }
0x130: {  	v2 =	vld [tilespmem:$0x142B0];
	_ =	sdelay $0x7  }
0x131: {  	[tilespmem:v2+s12+$0x0] =	vst.idx.add.f32.msk $0xffff, v1  }
0x132: {  	v2 =	vld [tilespmem:$0x142C0];
	_ =	sdelay $0x7  }
0x133: {  	[tilespmem:v2+s12+$0x0] =	vst.idx.add.f32.msk $0xffff, v1  }
0x134: {  	_ =	swait.ge [sflag:s13], $0x2800  }
0x135: {  	[sflag:s13] =	ssyncset.done $0x0  }
0x136: {  	s21 =	simm.s32 $0x0;
	[sflag:s13] =	ssyncadd.s32 $0xFFFFD800  }
0x137: {  	v5 =	vld [tilespmem:s21+$0x19470]  }
0x138: {  	v6 =	vld [tilespmem:s21+$0x19400]  }
0x139: {  	v7 =	vld [tilespmem:s21+$0x19410]  }
0x13a: {  	v4 =	vld [tilespmem:s21+$0x19420]  }
0x13b: {  	v2 =	vld [tilespmem:s21+$0x19430]  }
0x13c: {  	v3 =	vld [tilespmem:s21+$0x19440];
	[tilespmem:s21+$0x1BC70] =	vst v5  }
0x13d: {  	[tilespmem:s21+$0x1BC00] =	vst v6;
	v5 =	vld [tilespmem:s21+$0x19450]  }
0x13e: {  	s26 =	simm.s32 $0x400;
	s23 =	simm.s32 $0x80;
	[tilespmem:s21+$0x1BC10] =	vst v7;
	v6 =	vld [tilespmem:s21+$0x19460]  }
.LBB2_8:
0x13f: {  	p1 =	sne.s32 s26, $0x9E00;
	v7 =	vld [tilespmem:s23+$0x19470];
	[tilespmem:s21+$0x1BC20] =	vst v4  }
0x140: {  	v8 =	vld [tilespmem:s23+$0x19400];
	[tilespmem:s21+$0x1BC30] =	vst v2  }
0x141: {  	v9 =	vld [tilespmem:s23+$0x19410];
	[tilespmem:s21+$0x1BC40] =	vst v3  }
.Ltmp3:
0x142: {  	v4 =	vld [tilespmem:s23+$0x19420];
	[tilespmem:s21+$0x1BC50] =	vst v5;
	(pc) =	sbr.rel @p1 .LBB2_8-.Ltmp3, $4  }
0x143: {  	v2 =	vld [tilespmem:s23+$0x19430];
	[tilespmem:s21+$0x1BC60] =	vst v6;
	s21 =	smov.u32 s23  }
0x144: {  	v3 =	vld [tilespmem:s21+$0x19440];
	[tilespmem:s21+$0x1BC70] =	vst v7  }
0x145: {  	[tilespmem:s21+$0x1BC00] =	vst v8;
	v5 =	vld [tilespmem:s21+$0x19450]  }
0x146: {  	s23 =	sshra.s32 s26, $0x2;
	s26 =	sadd.s32 $0x200, s26;
	[tilespmem:s21+$0x1BC10] =	vst v9;
	v6 =	vld [tilespmem:s21+$0x19460]  }
0x147: {  	v7 =	vld [tilespmem:s23+$0x19470];
	[tilespmem:s21+$0x1BC20] =	vst v4  }
0x148: {  	v4 =	vld [tilespmem:s23+$0x19400];
	[tilespmem:s21+$0x1BC30] =	vst v2  }
0x149: {  	v2 =	vld [tilespmem:s23+$0x19410];
	[tilespmem:s21+$0x1BC40] =	vst v3  }
0x14a: {  	v3 =	vld [tilespmem:s23+$0x19420];
	[tilespmem:s21+$0x1BC50] =	vst v5  }
0x14b: {  	v5 =	vld [tilespmem:s23+$0x19430];
	[tilespmem:s21+$0x1BC60] =	vst v6  }
0x14c: {  	v6 =	vld [tilespmem:s23+$0x19440];
	[tilespmem:s23+$0x1BC70] =	vst v7  }
0x14d: {  	v63 =	vld [tilespmem:s23+$0x19450];
	[tilespmem:s23+$0x1BC00] =	vst v4  }
0x14e: {  	[tilespmem:s23+$0x1BC10] =	vst v2;
	v2 =	vld [tilespmem:s23+$0x19460]  }
0x14f: {  	[tilespmem:s23+$0x1BC20] =	vst v3  }
0x150: {  	[tilespmem:s23+$0x1BC30] =	vst v5  }
0x151: {  	[tilespmem:s23+$0x1BC40] =	vst v6  }
0x152: {  	[tilespmem:s23+$0x1BC50] =	vst v63  }
0x153: {  	s26 =	simm.s32 $0x0;
	[tilespmem:s23+$0x1BC60] =	vst v2  }
0x154: {  	[tilespmem:s31], [sflag:$0x7] =	stream.linear.gather [hbm4b:s4+s26], $0x50, $0x38;
	[tilespmem:$0x1E400] =	vst v63  }
0x155: {  	_ =	swait.ge [sflag:s0], $0x50  }
0x156: {  	[sflag:s0] =	ssyncset.done $0x0  }
0x157: {  	s28 =	simm.s32 $0x1BC00;
	[sflag:s0] =	ssyncadd.s32 $0xFFFFFFB0  }
0x158: {  	[spmem:s2] =	stream.indirect.scatter.add.f32 [tilespmem:s28], [sflag:$0x7], $0x80, s31, s5, $0xb8;
	[tilespmem:$0x1E400] =	vst v63  }
0x159: {  	_ =	swait.ge [sflag:s0], $0x2800  }
0x15a: {  	[sflag:s0] =	ssyncset.done $0x0  }
0x15b: {  	[sflag:s0] =	ssyncadd.s32 $0xFFFFD800  }
0x15c: {  	s29 =	sadd.s32 $0x0, s24;
	[bflag:$0x0] =	sbarrier.arrive $0xFFFF  }
0x15d: {  	[tilespmem:s31], [sflag:$0x7] =	stream.linear.gather [hbm4b:s29+s3], $0x50, $0x38;
	[tilespmem:$0x1E400] =	vst v63  }
0x15e: {  	_ =	swait.ge [sflag:s0], $0x50  }
0x15f: {  	[sflag:s0] =	ssyncset.done $0x0  }
0x160: {  	[sflag:s0] =	ssyncadd.s32 $0xFFFFFFB0  }
0x161: {  	[tilespmem:s6], [sflag:$0x7] =	stream.indirect.gather [spmem:s1], $0x80, s31, s5, $0xb8;
	[tilespmem:$0x1E400] =	vst v63  }
0x162: {  	_ =	swait.ge [sflag:s0], $0x2800  }
0x163: {  	[sflag:s0] =	ssyncset.done $0x0  }
0x164: {  	[sflag:s0] =	ssyncadd.s32 $0xFFFFD800  }
0x165: {  	[hbm4b:s25+s3] =	stream.linear.scatter [tilespmem:s6], [sflag:$0x7], $0x2800, $0x38;
	[tilespmem:$0x1E400] =	vst v63  }
0x166: {  	s21 =	sadd.s32 $0x500, s25;
	_ =	swait.ge [sflag:s0], $0x2800  }
0x167: {  	s23 =	simm.s32 $0xA;
	s26 =	simm.s32 $0x14;
	[sflag:s0] =	ssyncset.done $0x0  }
.LBB2_10:
0x168: {  	s28 =	sadd.s32 s23, s24  }
0x169: {  	[sflag:s0] =	ssyncadd.s32 $0xFFFFD800;
	s23 =	smov.u32 s26;
	s29 =	sadd.s32 $0xA, s26  }
0x16a: {  	[tilespmem:s31], [sflag:$0x7] =	stream.linear.gather [hbm4b:s28+s3], $0x50, $0x38;
	[tilespmem:$0x1E400] =	vst v63  }
0x16b: {  	p1 =	sne.s32 s26, $0x46;
	_ =	swait.ge [sflag:s0], $0x50  }
0x16c: {  	[sflag:s0] =	ssyncset.done $0x0  }
0x16d: {  	[sflag:s0] =	ssyncadd.s32 $0xFFFFFFB0  }
0x16e: {  	[tilespmem:s6], [sflag:$0x7] =	stream.indirect.gather [spmem:s1], $0x80, s31, s5, $0xb8;
	[tilespmem:$0x1E400] =	vst v63  }
0x16f: {  	_ =	swait.ge [sflag:s0], $0x2800  }
.Ltmp4:
0x170: {  	[sflag:s0] =	ssyncset.done $0x0;
	(pc) =	sbr.rel @p1 .LBB2_10-.Ltmp4, $4  }
0x171: {  	[sflag:s0] =	ssyncadd.s32 $0xFFFFD800  }
0x172: {  	[hbm4b:s21+s3] =	stream.linear.scatter [tilespmem:s6], [sflag:$0x7], $0x2800, $0x38;
	[tilespmem:$0x1E400] =	vst v63  }
0x173: {  	_ =	swait.ge [sflag:s0], $0x2800  }
0x174: {  	s26 =	smov.u32 s29;
	s21 =	sadd.s32 $0x500, s21;
	[sflag:s0] =	ssyncset.done $0x0  }
0x175: {  	s23 =	sadd.s32 s23, s24;
	[sflag:s0] =	ssyncadd.s32 $0xFFFFD800  }
0x176: {  	[tilespmem:s31], [sflag:$0x7] =	stream.linear.gather [hbm4b:s23+s3], $0x50, $0x38;
	[tilespmem:$0x1E400] =	vst v63  }
0x177: {  	_ =	swait.ge [sflag:s0], $0x50  }
0x178: {  	[sflag:s0] =	ssyncset.done $0x0  }
0x179: {  	[sflag:s0] =	ssyncadd.s32 $0xFFFFFFB0  }
0x17a: {  	[tilespmem:s6], [sflag:$0x7] =	stream.indirect.gather [spmem:s1], $0x80, s31, s5, $0xb8;
	[tilespmem:$0x1E400] =	vst v63  }
0x17b: {  	_ =	swait.ge [sflag:s0], $0x2800  }
0x17c: {  	[sflag:s0] =	ssyncset.done $0x0  }
0x17d: {  	[sflag:s0] =	ssyncadd.s32 $0xFFFFD800  }
0x17e: {  	[hbm4b:s21+s3] =	stream.linear.scatter [tilespmem:s6], [sflag:$0x7], $0x2800, $0x38;
	[tilespmem:$0x1E400] =	vst v63  }
0x17f: {  	_ =	swait.ge [sflag:s0], $0x2800  }
0x180: {  	s26 =	simm.s32 @!p0 $0x7;
	[sflag:s0] =	ssyncset.done $0x0  }
0x181: {  	s23 =	simm.s32 @!p0 $0x19380;
	s21 =	simm.s32 @!p0 $0x0;
	[sflag:s0] =	ssyncadd.s32 $0xFFFFD800  }
0x182: {  	[tilespmem:s23], [sflag:$0x7] =	stream.linear.gather @!p0 [hbm4b:s4+s21], $0x50, $0x38;
	[tilespmem:$0x1E400] =	vst v63  }
0x183: {  	_ =	swait.ge @!p0 [sflag:s26], $0x50  }
0x184: {  	[sflag:s26] =	ssyncset.done @!p0 $0x0  }
0x185: {  	s28 =	simm.s32 @!p0 $0x50;
	s29 =	simm.s32 @!p0 $0x1BC00;
	[sflag:s26] =	ssyncadd.s32 @!p0 $0xFFFFFFB0  }
0x186: {  	[tilespmem:s29], [sflag:$0x7] =	stream.indirect.gather @!p0 [spmem:s2], $0x80, s23, s28, $0xb8;
	[tilespmem:$0x1E400] =	vst v63  }
0x187: {  	_ =	swait.ge @!p0 [sflag:s26], $0x2800  }
0x188: {  	[sflag:s26] =	ssyncset.done @!p0 $0x0  }
0x189: {  	s23 =	rddreg [dreg:$0xd];
	[sflag:s26] =	ssyncadd.s32 @!p0 $0xFFFFD800  }
0x18a: {  	[hbm4b:s23+s21] =	stream.linear.scatter @!p0 [tilespmem:s29], [sflag:$0x7], $0x2800, $0x38;
	[tilespmem:$0x1E400] =	vst v63  }
0x18b: {  	_ =	swait.ge @!p0 [sflag:s26], $0x2800  }
0x18c: {  	s18 =	sadd.s32 $0x1, s18;
	s29 =	rddreg [dreg:$0xe]  }
0x18d: {  	p1 =	sne.s32 s18, s29  }
.Ltmp5:
0x18e: {  	_ = 	snop;
	(pc) =	sbr.rel @p1 .LBB2_1-.Ltmp5, $3  }
0x18f: {  	_ =	sdelay $0x1  }
0x190: {  	[sflag:s26] =	ssyncset.done @!p0 $0x0  }
0x191: {  	[sflag:s26] =	ssyncadd.s32 @!p0 $0xFFFFD800  }
0x192: {  	_ =	sfence.sel $0x180000  }
0x193: {  	[bflag:$0x0] =	sbarrier.arrive $0xFFFF  }
0x194: {  	_ =	strace $0x9000004A  }
0x195: {  	[bflag:$0x2] =	sbarrier.arrive $0xFFFF  }
0x196: {  	s0 =	rddreg [dreg:$0x4]  }
0x197: {  	s0 =	sadd.s32 @!p0 $0x100000, s0  }
0x198: {  	[sflag:s0] =	ssyncadd.tile.s32 @!p0 $0x1;
	_ =	shalt  }
.Lfunc_end2:
_tile_overlayer_lowered:
.L_overlay_start_2:
0x199: {  	(tag) =	ssettag $0x2  }
0x19a: {  	s0 =	rddreg [dreg:$0x0];
	s2 =	stileid.u32  }
0x19b: {  	s1 =	rddreg [dreg:$0x1];
	p0 =	sne.s32 s2, $0x0  }
0x19c: {  	s3 =	rddreg [dreg:$0x2];
	[bflag:$0x3] =	sbarrier.arrive $0xFFFF;
	s2 =	simm.s32 @!p0 $0x1C07  }
0x19d: {  	[timem:s3], [sflag:s2] =	dma.local @!p0 [hbm:s0], s1  }
0x19e: {  	s0 =	simm.s32 @!p0 $0x7  }
0x19f: {  	_ =	swait.ge @!p0 [sflag:s0], s1  }
0x1a0: {  	s1 =	ssub.s32 @!p0 $0x0, s1;
	[sflag:s0] =	ssyncset.done @!p0 $0x0  }
0x1a1: {  	[sflag:s0] =	ssyncadd.s32 @!p0 s1  }
0x1a2: {  	[bflag:$0x3] =	sbarrier.arrive $0xFFFF  }
0x1a3: {  	_ =	shalt  }

// kernel: kernel.7.cloned.1.call-start
scs
__scs_entry_jumppad:
0x0: {  	(pc) =	sbr.rel $0x88, $3  }
0x1: {  	(tag) =	ssettag $0x0;
	lr =	simm.s32 $0x1  }
0x2: {  	[smem:$0x3F98] =	sst lr;
	_ =	strace $0xD0000000  }
0x3: {  	_ = 	snop  }
0x4: {  	_ = 	snop  }
0x5: {  	_ = 	snop  }
0x6: {  	_ = 	snop  }
0x7: {  	_ = 	snop  }
__scs_overlays_trampoline_lowered:
0x8: {  	[smem:$0x3FA7] =	sst s0  }
0x9: {  	[smem:$0x3FA8] =	sst s1  }
0xa: {  	[smem:$0x3FA9] =	sst s2  }
0xb: {  	[smem:$0x3FAA] =	sst s3  }
0xc: {  	[smem:$0x3FAB] =	sst s4  }
0xd: {  	[smem:$0x3FAC] =	sst s5  }
0xe: {  	[smem:$0x3FAD] =	sst s6  }
0xf: {  	[smem:$0x3FAE] =	sst s7  }
0x10: {  	[smem:$0x3FAF] =	sst s8  }
0x11: {  	[smem:$0x3FB0] =	sst s9;
	s0 =	simm.s32 @!p0 $0x0  }
0x12: {  	s1 =	sld [smem:$0x3F96];
	s0 =	simm.s32 @p0 $0x1  }
0x13: {  	[smem:$0x3FB1] =	sst s0;
	s0 =	simm.s32 @!p1 $0x0  }
0x14: {  	s2 =	sld [smem:$0x3F95];
	s0 =	simm.s32 @p1 $0x1  }
0x15: {  	[smem:$0x3FB2] =	sst s0;
	s0 =	simm.s32 @!p2 $0x0  }
0x16: {  	s3 =	sld [smem:$0x3FDB];
	s0 =	simm.s32 @p2 $0x1  }
0x17: {  	s4 =	simm.s32 $0x1BF5;
	[smem:$0x3FB4] =	sst s0  }
0x18: {  	s0 =	sld [smem:$0x3F97];
	_ =	swait.ge [sflag:s4], $0x0  }
0x19: {  	s7 =	sld [smem:$0x3F98]  }
0x1a: {  	s8 =	sadd.s32 $0xFFFFE003, lr  }
0x1b: {  	s9 =	sadd.s32 $0xFFFFFEF7, lr;
	s5 =	simm.s32 $0xFFFFFFFF;
	p2 =	slt.u32 s8, $0xFFFFF086  }
0x1c: {  	p1 =	slt.u32 s9, $0xF7A;
	s5 =	simm.s32 @!p2 $0x0  }
0x1d: {  	s5 =	simm.s32 @p1 $0x1;
	p0 =	seq.s32 s7, s2  }
0x1e: {  	s7 =	smul.u32 @!p0 $0xF7A, s2;
	p2 =	seq.s32 @!p0 s5, $0x0  }
0x1f: {  	s9 =	smul.u32 $0xF7A, s1;
	s8 =	simm.s32 @!p0 $0x1BF5;
	p2 =	por !p2, p0  }
0x20: {  	[sflag:s8] =	ssyncset.s32 @!p0 $0xFFFFF086;
	s6 =	sadd.s32 @!p0 s3, s7;
	s7 =	simm.s32 @!p0 $0x108  }
0x21: {  	s3 =	sadd.s32 s3, s9;
	s6 =	sadd.s32 @!p0 $0x88, s6;
	s7 =	simm.s32 @p2 $0x1082  }
0x22: {  	[simem:s7], [sflag:s8] =	dma.local @!p0 [hbm:s6], $0xF7A  }
0x23: {  	s9 =	sor.u32 $0xD0000000, s2;
	s6 =	simm.s32 $0x108;
	_ =	swait.ge @!p0 [sflag:s8], $0x0  }
0x24: {  	s3 =	sadd.s32 $0x88, s3;
	s6 =	simm.s32 @!p1 $0x1082;
	[sflag:s4] =	ssyncset.s32 $0xFFFFF086  }
0x25: {  	[simem:s6], [sflag:s4] =	dma.local [hbm:s3], $0xF7A  }
0x26: {  	[smem:$0x3F98] =	sst s1;
	(tag) =	ssettag s2;
	_ =	strace s9  }
0x27: {  	s1 =	sld [smem:$0x3FA8]  }
0x28: {  	s2 =	sld [smem:$0x3FA9]  }
0x29: {  	s4 =	sld [smem:$0x3FAB]  }
0x2a: {  	p0 =	seq.s32 s5, $0x0;
	s5 =	sld [smem:$0x3FAC]  }
0x2b: {  	s6 =	sld [smem:$0x3FAD]  }
0x2c: {  	s7 =	sld [smem:$0x3FAE]  }
0x2d: {  	s3 =	simm.s32 $0x108;
	s8 =	sld [smem:$0x3FAF]  }
0x2e: {  	s3 =	simm.s32 @!p0 $0x1082;
	s9 =	sld [smem:$0x3FB0]  }
0x2f: {  	lr =	sadd.s32 s0, s3;
	s0 =	sld [smem:$0x3FA7]  }
0x30: {  	s3 =	sld [smem:$0x3FAA]  }
0x31: {  	[smem:$0x3FB3] =	sst s10  }
0x32: {  	s10 =	sld [smem:$0x3FB1];
	_ =	sdelay $0x3  }
0x33: {  	p0 =	seq.s32 s10, $0x1;
	s10 =	sld [smem:$0x3FB3];
	_ =	sdelay $0x3  }
0x34: {  	[smem:$0x3FB3] =	sst s10  }
0x35: {  	s10 =	sld [smem:$0x3FB2];
	_ =	sdelay $0x3  }
0x36: {  	p1 =	seq.s32 s10, $0x1;
	s10 =	sld [smem:$0x3FB3];
	_ =	sdelay $0x3  }
0x37: {  	[smem:$0x3FB3] =	sst s10  }
0x38: {  	s10 =	sld [smem:$0x3FB4]  }
0x39: {  	_ = 	snop;
	(pc) =	sbr.ind lr, $3  }
0x3a: {  	_ = 	snop  }
0x3b: {  	_ = 	snop  }
0x3c: {  	p2 =	seq.s32 s10, $0x1;
	s10 =	sld [smem:$0x3FB3]  }
0x3d: {  	_ =	shalt  }
0x3e: {  	_ =	shalt  }
0x3f: {  	_ =	shalt  }
0x40: {  	_ =	shalt  }
0x41: {  	_ =	shalt  }
0x42: {  	_ =	shalt  }
0x43: {  	_ =	shalt  }
0x44: {  	_ =	shalt  }
0x45: {  	_ =	shalt  }
0x46: {  	_ =	shalt  }
0x47: {  	_ =	shalt  }
0x48: {  	_ =	shalt  }
0x49: {  	_ =	shalt  }
0x4a: {  	_ =	shalt  }
0x4b: {  	_ =	shalt  }
0x4c: {  	_ =	shalt  }
0x4d: {  	_ =	shalt  }
0x4e: {  	_ =	shalt  }
0x4f: {  	_ =	shalt  }
0x50: {  	_ =	shalt  }
0x51: {  	_ =	shalt  }
0x52: {  	_ =	shalt  }
0x53: {  	_ =	shalt  }
0x54: {  	_ =	shalt  }
0x55: {  	_ =	shalt  }
0x56: {  	_ =	shalt  }
0x57: {  	_ =	shalt  }
0x58: {  	_ =	shalt  }
0x59: {  	_ =	shalt  }
0x5a: {  	_ =	shalt  }
0x5b: {  	_ =	shalt  }
0x5c: {  	_ =	shalt  }
0x5d: {  	_ =	shalt  }
0x5e: {  	_ =	shalt  }
0x5f: {  	_ =	shalt  }
0x60: {  	_ =	shalt  }
0x61: {  	_ =	shalt  }
0x62: {  	_ =	shalt  }
0x63: {  	_ =	shalt  }
0x64: {  	_ =	shalt  }
0x65: {  	_ =	shalt  }
0x66: {  	_ =	shalt  }
0x67: {  	_ =	shalt  }
0x68: {  	_ =	shalt  }
0x69: {  	_ =	shalt  }
0x6a: {  	_ =	shalt  }
0x6b: {  	_ =	shalt  }
0x6c: {  	_ =	shalt  }
0x6d: {  	_ =	shalt  }
0x6e: {  	_ =	shalt  }
0x6f: {  	_ =	shalt  }
0x70: {  	_ =	shalt  }
0x71: {  	_ =	shalt  }
0x72: {  	_ =	shalt  }
0x73: {  	_ =	shalt  }
0x74: {  	_ =	shalt  }
0x75: {  	_ =	shalt  }
0x76: {  	_ =	shalt  }
0x77: {  	_ =	shalt  }
0x78: {  	_ =	shalt  }
0x79: {  	_ =	shalt  }
0x7a: {  	_ =	shalt  }
0x7b: {  	_ =	shalt  }
0x7c: {  	_ =	shalt  }
0x7d: {  	_ =	shalt  }
0x7e: {  	_ =	shalt  }
0x7f: {  	_ =	shalt  }
0x80: {  	_ =	shalt  }
0x81: {  	_ =	shalt  }
0x82: {  	_ =	shalt  }
0x83: {  	_ =	shalt  }
0x84: {  	_ =	shalt  }
0x85: {  	_ =	shalt  }
0x86: {  	_ =	shalt  }
0x87: {  	_ =	shalt  }
.Lfunc_end0:
.L_simem_size_0:
called_computation_lowered:
.L_overlay_start_0:
0x88: {  	s2 =	sld [smem:$0x3FD9]  }
0x89: {  	s3 =	sld [smem:$0x3FFE];
	_ =	sdelay $0x1  }
0x8a: {  	s1 =	srdreg.scid  }
0x8b: {  	s0 =	sand.u32 $0x1, s1  }
0x8c: {  	s17 =	sshll.u32 s0, $0xA;
	s2 =	sadd.s32 s3, s2  }
0x8d: {  	s2 =	sadd.s32 s2, s17  }
0x8e: {  	[smem:$0x3FBF] =	sst s2  }
0x8f: {  	_ = 	snop  }
0x90: {  	s2 =	sld [smem:$0x3FD0];
	(tm) =	ssettm $0x1  }
0x91: {  	s18 =	sld [smem:$0x3FFB];
	_ =	sdelay $0x3  }
0x92: {  	_ =	strace s18  }
0x93: {  	s3 =	sld [smem:$0x3FFC];
	_ =	sdelay $0x3  }
0x94: {  	_ =	strace s3  }
0x95: {  	s3 =	sld [smem:$0x3FFD];
	_ =	sdelay $0x3  }
0x96: {  	_ =	strace s3  }
0x97: {  	_ =	strace $0x8FFFFFFF  }
0x98: {  	s19 =	sld [smem:$0x3FDB];
	_ =	sdelay $0x1  }
0x99: {  	s4 =	simm.s32 $_scs_section_size  }
0x9a: {  	s5 =	simm.s32 $_size__tile_overlayer_lowered;
	s6 =	simm.s32 $_tile_overlayer_lowered  }
0x9b: {  	s22 =	simm.s32 $0x1BFF;
	s21 =	sshll.u32 s6, $0x1;
	s3 =	sadd.s32 s4, s19  }
0x9c: {  	s7 =	simm.s32 $0x0;
	s20 =	sshll.u32 s5, $0x1;
	s5 =	sadd.s32 s21, s3  }
0x9d: {  	[timem:s7], [sflag:s22] =	dma.local [hbm:s5], s20  }
0x9e: {  	_ =	swait.ge [sflag:s22], s20  }
0x9f: {  	s4 =	ssub.s32 $0x0, s20;
	[sflag:s22] =	ssyncset.done $0x0  }
0xa0: {  	[sflag:s22] =	ssyncadd.s32 s4;
	_ =	sdelay $0x1  }
0xa1: {  	s23 =	simm.s32 $0x1B8B  }
0xa2: {  	_ =	swait.ge [sflag:s23], $0x1  }
0xa3: {  	[sflag:s23] =	ssyncset.done $0x0  }
0xa4: {  	s25 =	simm.s32 $0x1B8E;
	s24 =	sld [smem:$0x3FFE];
	[sflag:s23] =	ssyncadd.s32 $0xFFFFFFFF  }
0xa5: {  	s26 =	simm.s32 $execute0_lowered;
	[smem:$0x3FD2] =	sst s25  }
0xa6: {  	s5 =	sshll.u32 s26, $0x1;
	_ =	strace $0x80000046;
	[dreg:$0x1] =	wrdreg $0xFFFFFFFF  }
0xa7: {  	s28 =	simm.s32 $_size_execute0_lowered;
	s3 =	sadd.s32 s3, s5;
	[dreg:$0x0] =	wrdreg $0x0  }
0xa8: {  	s5 =	sshll.u32 s28, $0x1;
	[dreg:$0x2] =	wrdreg s3  }
0xa9: {  	[dreg:$0x3] =	wrdreg s5  }
0xaa: {  	[dreg:$0x4] =	wrdreg $0xC0  }
0xab: {  	_ =	task [dreg:s7], $0x5FFFF  }
0xac: {  	[dreg:$0x1] =	wrdreg $0xFFFFFFFF  }
0xad: {  	[dreg:$0x0] =	wrdreg $0x60  }
0xae: {  	[dreg:$0x2] =	wrdreg s2  }
0xaf: {  	[dreg:$0x3] =	wrdreg s24  }
0xb0: {  	[dreg:$0x4] =	wrdreg $0x9  }
0xb1: {  	_ =	task.clear_ibuf [dreg:s7], $0x5FFFF;
	_ =	strace $0x90000046  }
0xb2: {  	s29 =	simm.s32 $0x9;
	_ =	strace $0x80000048  }
0xb3: {  	_ =	swait.ge [sflag:s29], $0x1  }
0xb4: {  	[sflag:s29] =	ssyncadd.s32 $0xFFFFFFFF  }
0xb5: {  	_ =	strace $0x90000048  }
0xb6: {  	_ =	sfence  }
0xb7: {  	s30 =	sld [smem:$0x0];
	_ =	sdelay $0x2  }
0xb8: {  	s31 =	sshll.u32 s1, $0xD;
	s1 =	sshrl.u32 s1, $0x2  }
0xb9: {  	s3 =	sand.u32 $0x4000, s31;
	s1 =	sadd.s32 s1, s30  }
0xba: {  	s0 =	sor.u32 s3, s0;
	s1 =	sshll.u32 s1, $0x11  }
0xbb: {  	s0 =	sor.u32 s1, s0  }
0xbc: {  	s0 =	sadd.s32 $0x8F2B, s0  }
0xbd: {  	[sflag:s0] =	ssyncadd.remote.s32 $0x1  }
0xbe: {  	_ =	sfence.sel $0xFFFF  }
0xbf: {  	[dreg:$0x0] =	wrdreg $0xFFFFFFFF;
	(pc) =	sbr.abs _section_cstart, $3  }
0xc0: {  	[dreg:$0x1] =	wrdreg $0xFFFFFFFF  }
0xc1: {  	_ =	task.clear_ibuf [dreg:s7], $0x2FFFF;
	_ =	strace $0x9FFFFFFF  }
0xc2: {  	(tm) =	ssettm $0x7FFFFFFF  }
0xc3: {  	_ =	shalt  }
tec
execute0_lowered:
.L_overlay_start_1:
0x0: {  	(tag) =	ssettag $0x1  }
0x1: {  	s2 =	rddreg [dreg:$0x0]  }
0x2: {  	s0 =	rddreg [dreg:$0x1];
	s4 =	srdreg.scid  }
0x3: {  	s1 =	stileid.u32;
	s3 =	simm.s32 $0x0;
	s20 =	simm.s32 $0x50  }
0x4: {  	s28 =	simm.s32 $0x6;
	s29 =	simm.s32 $0x0;
	s15 =	smul.u32 $0x4E20, s1  }
0x5: {  	s14 =	sand.u32 $0x1, s4;
	s21 =	sshll.u32 s1, $0x1;
	s18 =	smul.u32 $0x4E200, s1  }
0x6: {  	[smem:$0x7FF] =	sst s3;
	s17 =	sadd.s32 $0x2000, s0;
	s16 =	smul.u32 $0x2710, s14  }
0x7: {  	s0 =	sadd.s32 $0x15C00, s0;
	s4 =	sor.u32 s14, s21;
	s25 =	smul.u32 $0x27100, s14  }
0x8: {  	_ =	strace $0x80000047;
	s5 =	ssub.s32 $0x2, s14;
	s6 =	smul.u32 $0x2710, s4  }
0x9: {  	s21 =	simm.s32 $0x100;
	s7 =	sshrl.u32 s5, $0x1;
	s22 =	smul.u32 $0x27100, s4  }
0xa: {  	s9 =	smul.u32 $0x138800, s4;
	s11 =	ssub.s32 s5, s7;
	s15 =	sadd.s32 s16, s15  }
0xb: {  	s8 =	sadd.s32 $0x50, s6;
	s23 =	sshrl.u32 s6, $0x3;
	s6 =	sadd.s32 s0, s22  }
0xc: {  	s9 =	sshrl.u32 s9, $0x3;
	s11 =	smax.u32 s11, $0x1;
	s19 =	sadd.s32 $0x190, s15  }
0xd: {  	s30 =	sadd.s32 $0x140, s15;
	s22 =	simm.s32 $0x3;
	s24 =	sshrl.u32 s8, $0x3  }
0xe: {  	s4 =	sadd.s32 s17, s23;
	s8 =	sshll.u32 s8, $0x4;
	s10 =	sadd.s32 s0, s9  }
0xf: {  	s12 =	sadd.s32 $0x26200, s6;
	s14 =	sadd.s32 $0x26700, s6;
	s26 =	sshrl.u32 s19, $0x3  }
0x10: {  	s31 =	sshrl.u32 s30, $0x3;
	s19 =	simm.s32 $0x1;
	s23 =	simm.s32 $0x2  }
0x11: {  	s5 =	sadd.s32 s17, s24;
	s7 =	sadd.s32 $0x14, s4;
	s8 =	sadd.s32 s0, s8  }
0x12: {  	s9 =	sadd.s32 $0x1E, s4;
	s10 =	sadd.s32 $0x26C00, s10;
	s13 =	sadd.s32 $0x4D8, s4  }
0x13: {  	s0 =	sadd.s32 s18, s0;
	s15 =	sadd.s32 s26, s17;
	s17 =	sadd.s32 s31, s17  }
0x14: {  	s18 =	simm.s32 $0x80;
	s24 =	simm.s32 $0x2900;
	s0 =	sadd.s32 s25, s0  }
0x15: {  	s26 =	simm.s32 $0x5;
	s25 =	simm.s32 $0x4;
	s16 =	sadd.s32 $0xF00, s0  }
.LBB2_1:
0x16: {  	[tilespmem:s3], [sflag:$0x1] =	stream.linear.gather [hbm4b:s4+s3], $0x50, $0x38;
	[tilespmem:$0x5100] =	vst v63  }
0x17: {  	_ = 	snop  }
0x18: {  	[tilespmem:s18], [sflag:$0x2] =	stream.linear.gather [hbm4b:s5+s3], $0x50, $0x38;
	[tilespmem:$0x5100] =	vst v63  }
0x19: {  	_ =	swait.ge [sflag:s19], $0x50  }
0x1a: {  	[sflag:s19] =	ssyncset.done $0x0  }
0x1b: {  	[sflag:s19] =	ssyncadd.s32 $0xFFFFFFB0  }
0x1c: {  	[tilespmem:s21], [sflag:$0x3] =	stream.indirect.gather [hbm4b:s2+s20], $0x80, s3, s20, $0xb8;
	[tilespmem:$0x5100] =	vst v63  }
0x1d: {  	_ =	swait.ge [sflag:s22], $0x2800  }
0x1e: {  	[sflag:s22] =	ssyncset.done $0x0  }
0x1f: {  	[sflag:s22] =	ssyncadd.s32 $0xFFFFD800  }
0x20: {  	[hbm4b:s6+s3] =	stream.linear.scatter [tilespmem:s21], [sflag:$0x5], $0x2800, $0x38;
	[tilespmem:$0x5100] =	vst v63  }
0x21: {  	_ = 	snop  }
0x22: {  	[tilespmem:s3], [sflag:$0x1] =	stream.linear.gather [hbm4b:s7+s3], $0x50, $0x38;
	[tilespmem:$0x5100] =	vst v63  }
0x23: {  	_ =	swait.ge [sflag:s23], $0x50  }
0x24: {  	[sflag:s23] =	ssyncset.done $0x0  }
0x25: {  	[sflag:s23] =	ssyncadd.s32 $0xFFFFFFB0  }
0x26: {  	[tilespmem:s24], [sflag:$0x4] =	stream.indirect.gather [hbm4b:s2+s20], $0x80, s18, s20, $0xb8;
	[tilespmem:$0x5100] =	vst v63  }
0x27: {  	_ =	swait.ge [sflag:s25], $0x2800  }
0x28: {  	[sflag:s25] =	ssyncset.done $0x0  }
0x29: {  	[sflag:s25] =	ssyncadd.s32 $0xFFFFD800  }
0x2a: {  	[hbm4b:s8+s3] =	stream.linear.scatter [tilespmem:s24], [sflag:$0x6], $0x2800, $0x38;
	[tilespmem:$0x5100] =	vst v63  }
0x2b: {  	_ = 	snop  }
0x2c: {  	[tilespmem:s18], [sflag:$0x2] =	stream.linear.gather [hbm4b:s9+s3], $0x50, $0x38;
	[tilespmem:$0x5100] =	vst v63  }
0x2d: {  	_ =	swait.ge [sflag:s19], $0x50  }
0x2e: {  	[sflag:s19] =	ssyncset.done $0x0  }
0x2f: {  	[sflag:s19] =	ssyncadd.s32 $0xFFFFFFB0  }
0x30: {  	_ =	swait.ge [sflag:s26], $0x2800  }
0x31: {  	[sflag:s26] =	ssyncset.done $0x0  }
0x32: {  	[sflag:s26] =	ssyncadd.s32 $0xFFFFD800  }
0x33: {  	[tilespmem:s21], [sflag:$0x3] =	stream.indirect.gather [hbm4b:s2+s20], $0x80, s3, s20, $0xb8;
	[tilespmem:$0x5100] =	vst v63  }
0x34: {  	_ =	swait.ge [sflag:s22], $0x2800  }
0x35: {  	[sflag:s22] =	ssyncset.done $0x0  }
0x36: {  	s0 =	sadd.s32 $0xFFFFFB00, s16;
	[sflag:s22] =	ssyncadd.s32 $0xFFFFD800  }
0x37: {  	[hbm4b:s0+s3] =	stream.linear.scatter [tilespmem:s21], [sflag:$0x5], $0x2800, $0x38;
	[tilespmem:$0x5100] =	vst v63  }
0x38: {  	s1 =	sadd.s32 $0x0, s17  }
0x39: {  	[tilespmem:s3], [sflag:$0x1] =	stream.linear.gather [hbm4b:s1+s3], $0x50, $0x38;
	[tilespmem:$0x5100] =	vst v63  }
0x3a: {  	_ =	swait.ge [sflag:s23], $0x50  }
0x3b: {  	[sflag:s23] =	ssyncset.done $0x0  }
0x3c: {  	[sflag:s23] =	ssyncadd.s32 $0xFFFFFFB0  }
0x3d: {  	_ =	swait.ge [sflag:s28], $0x2800  }
0x3e: {  	[sflag:s28] =	ssyncset.done $0x0  }
0x3f: {  	[sflag:s28] =	ssyncadd.s32 $0xFFFFD800  }
0x40: {  	[tilespmem:s24], [sflag:$0x4] =	stream.indirect.gather [hbm4b:s2+s20], $0x80, s18, s20, $0xb8;
	[tilespmem:$0x5100] =	vst v63  }
0x41: {  	_ =	swait.ge [sflag:s25], $0x2800  }
0x42: {  	s30 =	simm.s32 $0x14;
	[sflag:s25] =	ssyncset.done $0x0  }
0x43: {  	s31 =	sadd.s32 $0xA00, s16;
	s0 =	sadd.s32 $0x0, s15;
	[sflag:s25] =	ssyncadd.s32 $0xFFFFD800  }
0x44: {  	[hbm4b:s16+s3] =	stream.linear.scatter [tilespmem:s24], [sflag:$0x6], $0x2800, $0x38;
	[tilespmem:$0x5100] =	vst v63  }
.LBB2_2:
0x45: {  	[tilespmem:s18], [sflag:$0x2] =	stream.linear.gather [hbm4b:s0+s3], $0x50, $0x38;
	[tilespmem:$0x5100] =	vst v63  }
0x46: {  	s0 =	smov.u32 s30  }
0x47: {  	p0 =	sne.s32 s30, $0x49C;
	s30 =	sadd.s32 $0x14, s30;
	_ =	swait.ge [sflag:s19], $0x50  }
0x48: {  	[sflag:s19] =	ssyncset.done $0x0  }
0x49: {  	[sflag:s19] =	ssyncadd.s32 $0xFFFFFFB0  }
0x4a: {  	_ =	swait.ge [sflag:s26], $0x2800  }
0x4b: {  	[sflag:s26] =	ssyncset.done $0x0  }
0x4c: {  	[sflag:s26] =	ssyncadd.s32 $0xFFFFD800  }
0x4d: {  	[tilespmem:s21], [sflag:$0x3] =	stream.indirect.gather [hbm4b:s2+s20], $0x80, s3, s20, $0xb8;
	[tilespmem:$0x5100] =	vst v63  }
0x4e: {  	_ =	swait.ge [sflag:s22], $0x2800  }
0x4f: {  	[sflag:s22] =	ssyncset.done $0x0  }
0x50: {  	s1 =	sadd.s32 $0xFFFFFB00, s31;
	[sflag:s22] =	ssyncadd.s32 $0xFFFFD800  }
0x51: {  	[hbm4b:s1+s3] =	stream.linear.scatter [tilespmem:s21], [sflag:$0x5], $0x2800, $0x38;
	[tilespmem:$0x5100] =	vst v63  }
0x52: {  	s1 =	sadd.s32 s0, s17  }
0x53: {  	[tilespmem:s3], [sflag:$0x1] =	stream.linear.gather [hbm4b:s1+s3], $0x50, $0x38;
	[tilespmem:$0x5100] =	vst v63  }
0x54: {  	_ =	swait.ge [sflag:s23], $0x50  }
0x55: {  	[sflag:s23] =	ssyncset.done $0x0  }
0x56: {  	[sflag:s23] =	ssyncadd.s32 $0xFFFFFFB0  }
0x57: {  	_ =	swait.ge [sflag:s28], $0x2800  }
0x58: {  	[sflag:s28] =	ssyncset.done $0x0  }
0x59: {  	[sflag:s28] =	ssyncadd.s32 $0xFFFFD800  }
0x5a: {  	[tilespmem:s24], [sflag:$0x4] =	stream.indirect.gather [hbm4b:s2+s20], $0x80, s18, s20, $0xb8;
	[tilespmem:$0x5100] =	vst v63  }
.Ltmp0:
0x5b: {  	_ =	swait.ge [sflag:s25], $0x2800;
	(pc) =	sbr.rel @p0 .LBB2_2-.Ltmp0, $4  }
0x5c: {  	[sflag:s25] =	ssyncset.done $0x0  }
0x5d: {  	[sflag:s25] =	ssyncadd.s32 $0xFFFFD800  }
0x5e: {  	[hbm4b:s31+s3] =	stream.linear.scatter [tilespmem:s24], [sflag:$0x6], $0x2800, $0x38;
	[tilespmem:$0x5100] =	vst v63  }
0x5f: {  	s0 =	sadd.s32 s0, s15;
	s31 =	sadd.s32 $0xA00, s31  }
0x60: {  	[tilespmem:s18], [sflag:$0x2] =	stream.linear.gather [hbm4b:s0+s3], $0x50, $0x38;
	[tilespmem:$0x5100] =	vst v63  }
0x61: {  	_ =	swait.ge [sflag:s19], $0x50  }
0x62: {  	[sflag:s19] =	ssyncset.done $0x0  }
0x63: {  	[sflag:s19] =	ssyncadd.s32 $0xFFFFFFB0  }
0x64: {  	_ =	swait.ge [sflag:s26], $0x2800  }
0x65: {  	[sflag:s26] =	ssyncset.done $0x0  }
0x66: {  	[sflag:s26] =	ssyncadd.s32 $0xFFFFD800  }
0x67: {  	[tilespmem:s21], [sflag:$0x3] =	stream.indirect.gather [hbm4b:s2+s20], $0x80, s3, s20, $0xb8;
	[tilespmem:$0x5100] =	vst v63  }
0x68: {  	_ =	swait.ge [sflag:s22], $0x2800  }
0x69: {  	[sflag:s22] =	ssyncset.done $0x0  }
0x6a: {  	[sflag:s22] =	ssyncadd.s32 $0xFFFFD800  }
0x6b: {  	[hbm4b:s12+s3] =	stream.linear.scatter [tilespmem:s21], [sflag:$0x5], $0x2800, $0x38;
	[tilespmem:$0x5100] =	vst v63  }
0x6c: {  	_ = 	snop  }
0x6d: {  	[tilespmem:s3], [sflag:$0x1] =	stream.linear.gather [hbm4b:s13+s3], $0x50, $0x38;
	[tilespmem:$0x5100] =	vst v63  }
0x6e: {  	_ =	swait.ge [sflag:s23], $0x50  }
0x6f: {  	[sflag:s23] =	ssyncset.done $0x0  }
0x70: {  	[sflag:s23] =	ssyncadd.s32 $0xFFFFFFB0  }
0x71: {  	_ =	swait.ge [sflag:s28], $0x2800  }
0x72: {  	[sflag:s28] =	ssyncset.done $0x0  }
0x73: {  	[sflag:s28] =	ssyncadd.s32 $0xFFFFD800  }
0x74: {  	[tilespmem:s24], [sflag:$0x4] =	stream.indirect.gather [hbm4b:s2+s20], $0x80, s18, s20, $0xb8;
	[tilespmem:$0x5100] =	vst v63  }
0x75: {  	_ =	swait.ge [sflag:s25], $0x2800  }
0x76: {  	[sflag:s25] =	ssyncset.done $0x0  }
0x77: {  	[sflag:s25] =	ssyncadd.s32 $0xFFFFD800  }
0x78: {  	[hbm4b:s14+s3] =	stream.linear.scatter [tilespmem:s24], [sflag:$0x6], $0x2800, $0x38;
	[tilespmem:$0x5100] =	vst v63  }
0x79: {  	_ =	swait.ge [sflag:s19], $0x50  }
0x7a: {  	[sflag:s19] =	ssyncset.done $0x0  }
0x7b: {  	[sflag:s19] =	ssyncadd.s32 $0xFFFFFFB0  }
0x7c: {  	_ =	swait.ge [sflag:s26], $0x2800  }
0x7d: {  	[sflag:s26] =	ssyncset.done $0x0  }
0x7e: {  	[sflag:s26] =	ssyncadd.s32 $0xFFFFD800  }
0x7f: {  	[tilespmem:s21], [sflag:$0x3] =	stream.indirect.gather [hbm4b:s2+s20], $0x80, s3, s20, $0xb8;
	[tilespmem:$0x5100] =	vst v63  }
0x80: {  	_ =	swait.ge [sflag:s22], $0x2800  }
0x81: {  	[sflag:s22] =	ssyncset.done $0x0  }
0x82: {  	s29 =	sadd.s32 $0x1, s29;
	[sflag:s22] =	ssyncadd.s32 $0xFFFFD800  }
0x83: {  	[hbm4b:s10+s3] =	stream.linear.scatter [tilespmem:s21], [sflag:$0x5], $0x2800, $0x38;
	[tilespmem:$0x5100] =	vst v63  }
0x84: {  	p0 =	sne.s32 s29, s11;
	_ =	swait.ge [sflag:s28], $0x2800  }
.Ltmp1:
0x85: {  	[sflag:s28] =	ssyncset.done $0x0;
	(pc) =	sbr.rel @p0 .LBB2_1-.Ltmp1, $4  }
0x86: {  	[sflag:s28] =	ssyncadd.s32 $0xFFFFD800  }
0x87: {  	_ =	swait.ge [sflag:s26], $0x2800  }
0x88: {  	[sflag:s26] =	ssyncset.done $0x0  }
0x89: {  	[sflag:s26] =	ssyncadd.s32 $0xFFFFD800  }
0x8a: {  	_ =	sfence.sel $0x180000  }
0x8b: {  	[bflag:$0x0] =	sbarrier.arrive $0xFFFF  }
0x8c: {  	_ =	strace $0x90000047  }
0x8d: {  	s0 =	stileid.u32;
	[bflag:$0x2] =	sbarrier.arrive $0xFFFF  }
0x8e: {  	p0 =	sne.s32 s0, $0x0;
	s0 =	rddreg [dreg:$0x2]  }
0x8f: {  	s0 =	sadd.s32 @!p0 $0x100000, s0  }
0x90: {  	[sflag:s0] =	ssyncadd.tile.s32 @!p0 $0x1;
	_ =	shalt  }
.Lfunc_end2:
_tile_overlayer_lowered:
.L_overlay_start_2:
0x91: {  	(tag) =	ssettag $0x2  }
0x92: {  	s0 =	rddreg [dreg:$0x0];
	s2 =	stileid.u32  }
0x93: {  	s1 =	rddreg [dreg:$0x1];
	p0 =	sne.s32 s2, $0x0  }
0x94: {  	s3 =	rddreg [dreg:$0x2];
	[bflag:$0x3] =	sbarrier.arrive $0xFFFF;
	s2 =	simm.s32 @!p0 $0x1C07  }
0x95: {  	[timem:s3], [sflag:s2] =	dma.local @!p0 [hbm:s0], s1  }
0x96: {  	s0 =	simm.s32 @!p0 $0x7  }
0x97: {  	_ =	swait.ge @!p0 [sflag:s0], s1  }
0x98: {  	s1 =	ssub.s32 @!p0 $0x0, s1;
	[sflag:s0] =	ssyncset.done @!p0 $0x0  }
0x99: {  	[sflag:s0] =	ssyncadd.s32 @!p0 s1  }
0x9a: {  	[bflag:$0x3] =	sbarrier.arrive $0xFFFF  }
0x9b: {  	_ =	shalt  }

</sc_bundles>
